<compile_context>
chip_gen: v7x
topology: tpu7x:2x2x1
jax: 0.10.2.dev20260603
libtpu: 0.0.44.dev20260713+nightly
codegen_flags: <defaults>
</compile_context>

<pallas_src>
import jax
import jax.numpy as jnp
from jax import lax
from jax.experimental import pallas as pl
from jax.experimental.pallas import tpu as pltpu
from jax.experimental.pallas import tpu_sc as plsc

_BB = 128
_NBUF = 7
_LA = 6


def _embedding_lookup(weight, idx_t, b, s):
    d = weight.shape[1]
    mesh = plsc.VectorSubcoreMesh(core_axis_name="core", subcore_axis_name="subcore")

    scratch = [pltpu.VMEM((s, _BB), jnp.int32)]
    scratch += [pltpu.VMEM((_BB, d), weight.dtype) for _ in range(_NBUF)]
    scratch += [pltpu.SemaphoreType.DMA for _ in range(2 * _NBUF)]

    @pl.kernel(
        out_type=jax.ShapeDtypeStruct((s, b, d), weight.dtype),
        mesh=mesh,
        scratch_types=scratch,
    )
    def k(x_hbm, i_hbm, o_hbm, idx_v, *bufs_and_sems):
        bufs = bufs_and_sems[:_NBUF]
        gsem = bufs_and_sems[_NBUF:2 * _NBUF]
        wsem = bufs_and_sems[2 * _NBUF:]

        wid = lax.axis_index("subcore") * 2 + lax.axis_index("core")
        b0 = wid * _BB

        pltpu.sync_copy(i_hbm.at[:, pl.ds(b0, _BB)], idx_v)

        def start_gather(h, bb):
            pltpu.async_copy(x_hbm.at[idx_v.at[h]], bufs[bb], gsem[bb])

        def wait_gather(bb):
            pltpu.make_async_copy(x_hbm.at[idx_v.at[0]], bufs[bb], gsem[bb]).wait()

        def start_write(g, bb):
            pltpu.async_copy(bufs[bb], o_hbm.at[g, pl.ds(b0, _BB)], wsem[bb])

        def wait_write(bb):
            pltpu.make_async_copy(bufs[bb], o_hbm.at[0, pl.ds(b0, _BB)], wsem[bb]).wait()

        for j in range(_LA):
            start_gather(j, j)

        for bb in range(_NBUF):
            h = bb + _LA
            hb = h % _NBUF
            if h >= _NBUF:
                wait_write(hb)
            start_gather(h, hb)
            wait_gather(bb)
            start_write(bb, bb)

        @pl.loop(_NBUF, s, step=_NBUF)
        def _(g0):
            for bb in range(_NBUF):
                g = g0 + bb
                h = g + _LA
                hb = (bb + _LA) % _NBUF

                @pl.when(h < s)
                def _():
                    wait_write(hb)
                    start_gather(h, hb)

                @pl.when(g < s)
                def _():
                    wait_gather(bb)
                    start_write(g, bb)

        for bb in range(_NBUF):
            wait_write(bb)

    return k(weight, idx_t)


def kernel(input_, weight):
    b, s = input_.shape
    idx_t = jnp.transpose(input_.astype(jnp.int32))
    out = _embedding_lookup(weight, idx_t, b, s)
    return jnp.transpose(out, (1, 0, 2))

# --- scband reference (transcript-rebuilt; emitter-appended) ---
"""Pipeline reference for scband-vocab-parallel-embedding-10531259810374 (READ-ONLY COPY).

The authoritative reference and input builder live on the scoring server;
editing this copy changes nothing except your own understanding.
"""

import jax, jax.numpy as jnp
import numpy as np

NUM_EMBEDDINGS = 100000
EMBEDDING_DIM = 128

def setup_inputs(seed: int = 0) -> dict:
    key = jax.random.key(seed)
    k1, k2 = jax.random.split(key)
    input_ = jax.random.randint(k1, (4096, 50), 0, NUM_EMBEDDINGS, dtype=jnp.int64 if jax.config.jax_enable_x64 else jnp.int32)
    # xavier_normal init for weight [num_embeddings, embedding_dim]
    std = float(np.sqrt(2.0 / (NUM_EMBEDDINGS + EMBEDDING_DIM)))
    weight = jax.random.normal(k2, (NUM_EMBEDDINGS, EMBEDDING_DIM), dtype=jnp.float32) * std
    return {"input_": input_, "weight": weight}

def reference(input_, weight):
    # world_size == 1 path: no masking, plain embedding lookup,
    # reduce_forward is identity on a single partition.
    output = jnp.take(weight, input_, axis=0)
    return output

if __name__ == "__main__":
    import jax
    _d = setup_inputs()
    print(jax.jit(kernel)(*tuple(_d.values())))

</pallas_src>

<mosaic_0001>
#map = affine_map<(d0, d1) -> (0, 0)>
#map1 = affine_map<(d0, d1) -> (0, 0, 0)>
module attributes {stable_mosaic.version = 14 : i64} {
  func.func @k(%arg0: i32, %arg1: i32, %arg2: memref<100000x128xf32, #tpu.memory_space<hbm>>, %arg3: memref<50x4096xi32, #tpu.memory_space<hbm>>, %arg4: memref<50x4096x128xf32, #tpu.memory_space<hbm>>, %arg5: memref<50x128xi32, #tpu.memory_space<vmem>>, %arg6: memref<128x128xf32, #tpu.memory_space<vmem>>, %arg7: memref<128x128xf32, #tpu.memory_space<vmem>>, %arg8: memref<128x128xf32, #tpu.memory_space<vmem>>, %arg9: memref<128x128xf32, #tpu.memory_space<vmem>>, %arg10: memref<128x128xf32, #tpu.memory_space<vmem>>, %arg11: memref<128x128xf32, #tpu.memory_space<vmem>>, %arg12: memref<128x128xf32, #tpu.memory_space<vmem>>, %arg13: memref<!tpu.dma_semaphore, #tpu.memory_space<semaphore_mem>>, %arg14: memref<!tpu.dma_semaphore, #tpu.memory_space<semaphore_mem>>, %arg15: memref<!tpu.dma_semaphore, #tpu.memory_space<semaphore_mem>>, %arg16: memref<!tpu.dma_semaphore, #tpu.memory_space<semaphore_mem>>, %arg17: memref<!tpu.dma_semaphore, #tpu.memory_space<semaphore_mem>>, %arg18: memref<!tpu.dma_semaphore, #tpu.memory_space<semaphore_mem>>, %arg19: memref<!tpu.dma_semaphore, #tpu.memory_space<semaphore_mem>>, %arg20: memref<!tpu.dma_semaphore, #tpu.memory_space<semaphore_mem>>, %arg21: memref<!tpu.dma_semaphore, #tpu.memory_space<semaphore_mem>>, %arg22: memref<!tpu.dma_semaphore, #tpu.memory_space<semaphore_mem>>, %arg23: memref<!tpu.dma_semaphore, #tpu.memory_space<semaphore_mem>>, %arg24: memref<!tpu.dma_semaphore, #tpu.memory_space<semaphore_mem>>, %arg25: memref<!tpu.dma_semaphore, #tpu.memory_space<semaphore_mem>>, %arg26: memref<!tpu.dma_semaphore, #tpu.memory_space<semaphore_mem>>) attributes {dimension_semantics = [#tpu.dimension_semantics<core_parallel>, #tpu.dimension_semantics<subcore_parallel>], iteration_bounds = array<i64: 2, 16>, scalar_prefetch = 0 : i64, scratch_operands = 22 : i64, tpu.core_type = #tpu.core_type<sc_vector_subcore>, window_params = [{transform_indices = #map}, {transform_indices = #map}, {transform_indices = #map1}]} {
    %mul3A = arith.constant 2 : i32
    %mul3A_0 = arith.muli %arg1, %mul3A : i32
    %add3A = arith.addi %mul3A_0, %arg0 : i32
    %mul3A_1 = arith.constant 128 : i32
    %mul3A_2 = arith.muli %add3A, %mul3A_1 : i32
    "tpu.region"() ({
      %run_scoped3A = tpu.sem_alloc : memref<!tpu.dma_semaphore, #tpu.memory_space<semaphore_mem>>
      %dma_start3A_285 = arith.constant 0 : i32
      %dma_start3A_286 = tpu.memref_slice %arg3[%dma_start3A_285, %mul3A_2] : memref<50x4096xi32, #tpu.memory_space<hbm>> -> memref<50x128xi32, #tpu.memory_space<hbm>>
      %dma_start3A_287 = arith.constant 0 : i32
      %dma_start3A_288 = tpu.memref_slice %arg3[%dma_start3A_287, %mul3A_2] : memref<50x4096xi32, #tpu.memory_space<hbm>> -> memref<50x128xi32, #tpu.memory_space<hbm>>
      tpu.enqueue_dma source(%dma_start3A_288 : memref<50x128xi32, #tpu.memory_space<hbm>>) target(%arg5 : memref<50x128xi32, #tpu.memory_space<vmem>>) target_semaphore(%run_scoped3A : memref<!tpu.dma_semaphore, #tpu.memory_space<semaphore_mem>>)
      %dma_wait3A_289 = arith.constant 0 : i32
      %dma_wait3A_290 = tpu.memref_slice %arg3[%dma_wait3A_289, %mul3A_2] : memref<50x4096xi32, #tpu.memory_space<hbm>> -> memref<50x128xi32, #tpu.memory_space<hbm>>
      %dma_wait3A_291 = arith.constant 0 : i32
      %dma_wait3A_292 = tpu.memref_slice %arg3[%dma_wait3A_291, %mul3A_2] : memref<50x4096xi32, #tpu.memory_space<hbm>> -> memref<50x128xi32, #tpu.memory_space<hbm>>
      tpu.wait_dma2 semaphore(%run_scoped3A : memref<!tpu.dma_semaphore, #tpu.memory_space<semaphore_mem>>) src(%dma_wait3A_292 : memref<50x128xi32, #tpu.memory_space<hbm>>) dst(%arg5 : memref<50x128xi32, #tpu.memory_space<vmem>>)
      tpu.yield
    }) : () -> ()
    %dma_start3A = arith.constant 0 : i32
    %dma_start3A_3 = arith.constant 0 : i32
    %dma_start3A_4 = tpu.memref_slice %arg5[%dma_start3A, %dma_start3A_3] : memref<50x128xi32, #tpu.memory_space<vmem>> -> memref<1x128xi32, #tpu.memory_space<vmem>>
    %dma_start3A_5 = tpu.memref_squeeze %dma_start3A_4 : memref<1x128xi32, #tpu.memory_space<vmem>> -> memref<128xi32, #tpu.memory_space<vmem>>
    %dma_start3A_6 = arith.constant 0 : i32
    %dma_start3A_7 = arith.constant 0 : i32
    %dma_start3A_8 = tpu.memref_slice %arg2[%dma_start3A_6, %dma_start3A_7] : memref<100000x128xf32, #tpu.memory_space<hbm>> -> memref<100000x128xf32, #tpu.memory_space<hbm>>
    tpu.enqueue_indirect_dma source(%dma_start3A_8 : memref<100000x128xf32, #tpu.memory_space<hbm>>) target(%arg6 : memref<128x128xf32, #tpu.memory_space<vmem>>) offsets(%dma_start3A_5 : memref<128xi32, #tpu.memory_space<vmem>>) semaphore(%arg13 : memref<!tpu.dma_semaphore, #tpu.memory_space<semaphore_mem>>)
    %dma_start3A_9 = arith.constant 1 : i32
    %dma_start3A_10 = arith.constant 0 : i32
    %dma_start3A_11 = tpu.memref_slice %arg5[%dma_start3A_9, %dma_start3A_10] : memref<50x128xi32, #tpu.memory_space<vmem>> -> memref<1x128xi32, #tpu.memory_space<vmem>>
    %dma_start3A_12 = tpu.memref_squeeze %dma_start3A_11 : memref<1x128xi32, #tpu.memory_space<vmem>> -> memref<128xi32, #tpu.memory_space<vmem>>
    %dma_start3A_13 = arith.constant 0 : i32
    %dma_start3A_14 = arith.constant 0 : i32
    %dma_start3A_15 = tpu.memref_slice %arg2[%dma_start3A_13, %dma_start3A_14] : memref<100000x128xf32, #tpu.memory_space<hbm>> -> memref<100000x128xf32, #tpu.memory_space<hbm>>
    tpu.enqueue_indirect_dma source(%dma_start3A_15 : memref<100000x128xf32, #tpu.memory_space<hbm>>) target(%arg7 : memref<128x128xf32, #tpu.memory_space<vmem>>) offsets(%dma_start3A_12 : memref<128xi32, #tpu.memory_space<vmem>>) semaphore(%arg14 : memref<!tpu.dma_semaphore, #tpu.memory_space<semaphore_mem>>)
    %dma_start3A_16 = arith.constant 2 : i32
    %dma_start3A_17 = arith.constant 0 : i32
    %dma_start3A_18 = tpu.memref_slice %arg5[%dma_start3A_16, %dma_start3A_17] : memref<50x128xi32, #tpu.memory_space<vmem>> -> memref<1x128xi32, #tpu.memory_space<vmem>>
    %dma_start3A_19 = tpu.memref_squeeze %dma_start3A_18 : memref<1x128xi32, #tpu.memory_space<vmem>> -> memref<128xi32, #tpu.memory_space<vmem>>
    %dma_start3A_20 = arith.constant 0 : i32
    %dma_start3A_21 = arith.constant 0 : i32
    %dma_start3A_22 = tpu.memref_slice %arg2[%dma_start3A_20, %dma_start3A_21] : memref<100000x128xf32, #tpu.memory_space<hbm>> -> memref<100000x128xf32, #tpu.memory_space<hbm>>
    tpu.enqueue_indirect_dma source(%dma_start3A_22 : memref<100000x128xf32, #tpu.memory_space<hbm>>) target(%arg8 : memref<128x128xf32, #tpu.memory_space<vmem>>) offsets(%dma_start3A_19 : memref<128xi32, #tpu.memory_space<vmem>>) semaphore(%arg15 : memref<!tpu.dma_semaphore, #tpu.memory_space<semaphore_mem>>)
    %dma_start3A_23 = arith.constant 3 : i32
    %dma_start3A_24 = arith.constant 0 : i32
    %dma_start3A_25 = tpu.memref_slice %arg5[%dma_start3A_23, %dma_start3A_24] : memref<50x128xi32, #tpu.memory_space<vmem>> -> memref<1x128xi32, #tpu.memory_space<vmem>>
    %dma_start3A_26 = tpu.memref_squeeze %dma_start3A_25 : memref<1x128xi32, #tpu.memory_space<vmem>> -> memref<128xi32, #tpu.memory_space<vmem>>
    %dma_start3A_27 = arith.constant 0 : i32
    %dma_start3A_28 = arith.constant 0 : i32
    %dma_start3A_29 = tpu.memref_slice %arg2[%dma_start3A_27, %dma_start3A_28] : memref<100000x128xf32, #tpu.memory_space<hbm>> -> memref<100000x128xf32, #tpu.memory_space<hbm>>
    tpu.enqueue_indirect_dma source(%dma_start3A_29 : memref<100000x128xf32, #tpu.memory_space<hbm>>) target(%arg9 : memref<128x128xf32, #tpu.memory_space<vmem>>) offsets(%dma_start3A_26 : memref<128xi32, #tpu.memory_space<vmem>>) semaphore(%arg16 : memref<!tpu.dma_semaphore, #tpu.memory_space<semaphore_mem>>)
    %dma_start3A_30 = arith.constant 4 : i32
    %dma_start3A_31 = arith.constant 0 : i32
    %dma_start3A_32 = tpu.memref_slice %arg5[%dma_start3A_30, %dma_start3A_31] : memref<50x128xi32, #tpu.memory_space<vmem>> -> memref<1x128xi32, #tpu.memory_space<vmem>>
    %dma_start3A_33 = tpu.memref_squeeze %dma_start3A_32 : memref<1x128xi32, #tpu.memory_space<vmem>> -> memref<128xi32, #tpu.memory_space<vmem>>
    %dma_start3A_34 = arith.constant 0 : i32
    %dma_start3A_35 = arith.constant 0 : i32
    %dma_start3A_36 = tpu.memref_slice %arg2[%dma_start3A_34, %dma_start3A_35] : memref<100000x128xf32, #tpu.memory_space<hbm>> -> memref<100000x128xf32, #tpu.memory_space<hbm>>
    tpu.enqueue_indirect_dma source(%dma_start3A_36 : memref<100000x128xf32, #tpu.memory_space<hbm>>) target(%arg10 : memref<128x128xf32, #tpu.memory_space<vmem>>) offsets(%dma_start3A_33 : memref<128xi32, #tpu.memory_space<vmem>>) semaphore(%arg17 : memref<!tpu.dma_semaphore, #tpu.memory_space<semaphore_mem>>)
    %dma_start3A_37 = arith.constant 5 : i32
    %dma_start3A_38 = arith.constant 0 : i32
    %dma_start3A_39 = tpu.memref_slice %arg5[%dma_start3A_37, %dma_start3A_38] : memref<50x128xi32, #tpu.memory_space<vmem>> -> memref<1x128xi32, #tpu.memory_space<vmem>>
    %dma_start3A_40 = tpu.memref_squeeze %dma_start3A_39 : memref<1x128xi32, #tpu.memory_space<vmem>> -> memref<128xi32, #tpu.memory_space<vmem>>
    %dma_start3A_41 = arith.constant 0 : i32
    %dma_start3A_42 = arith.constant 0 : i32
    %dma_start3A_43 = tpu.memref_slice %arg2[%dma_start3A_41, %dma_start3A_42] : memref<100000x128xf32, #tpu.memory_space<hbm>> -> memref<100000x128xf32, #tpu.memory_space<hbm>>
    tpu.enqueue_indirect_dma source(%dma_start3A_43 : memref<100000x128xf32, #tpu.memory_space<hbm>>) target(%arg11 : memref<128x128xf32, #tpu.memory_space<vmem>>) offsets(%dma_start3A_40 : memref<128xi32, #tpu.memory_space<vmem>>) semaphore(%arg18 : memref<!tpu.dma_semaphore, #tpu.memory_space<semaphore_mem>>)
    %dma_start3A_44 = arith.constant 6 : i32
    %dma_start3A_45 = arith.constant 0 : i32
    %dma_start3A_46 = tpu.memref_slice %arg5[%dma_start3A_44, %dma_start3A_45] : memref<50x128xi32, #tpu.memory_space<vmem>> -> memref<1x128xi32, #tpu.memory_space<vmem>>
    %dma_start3A_47 = tpu.memref_squeeze %dma_start3A_46 : memref<1x128xi32, #tpu.memory_space<vmem>> -> memref<128xi32, #tpu.memory_space<vmem>>
    %dma_start3A_48 = arith.constant 0 : i32
    %dma_start3A_49 = arith.constant 0 : i32
    %dma_start3A_50 = tpu.memref_slice %arg2[%dma_start3A_48, %dma_start3A_49] : memref<100000x128xf32, #tpu.memory_space<hbm>> -> memref<100000x128xf32, #tpu.memory_space<hbm>>
    tpu.enqueue_indirect_dma source(%dma_start3A_50 : memref<100000x128xf32, #tpu.memory_space<hbm>>) target(%arg12 : memref<128x128xf32, #tpu.memory_space<vmem>>) offsets(%dma_start3A_47 : memref<128xi32, #tpu.memory_space<vmem>>) semaphore(%arg19 : memref<!tpu.dma_semaphore, #tpu.memory_space<semaphore_mem>>)
    %dma_wait3A = arith.constant 0 : i32
    %dma_wait3A_51 = arith.constant 0 : i32
    %dma_wait3A_52 = tpu.memref_slice %arg5[%dma_wait3A, %dma_wait3A_51] : memref<50x128xi32, #tpu.memory_space<vmem>> -> memref<1x128xi32, #tpu.memory_space<vmem>>
    %dma_wait3A_53 = tpu.memref_squeeze %dma_wait3A_52 : memref<1x128xi32, #tpu.memory_space<vmem>> -> memref<128xi32, #tpu.memory_space<vmem>>
    %dma_wait3A_54 = arith.constant 0 : i32
    %dma_wait3A_55 = arith.constant 0 : i32
    %dma_wait3A_56 = tpu.memref_slice %arg2[%dma_wait3A_54, %dma_wait3A_55] : memref<100000x128xf32, #tpu.memory_space<hbm>> -> memref<100000x128xf32, #tpu.memory_space<hbm>>
    tpu.wait_indirect_dma semaphore(%arg13 : memref<!tpu.dma_semaphore, #tpu.memory_space<semaphore_mem>>) src(%dma_wait3A_56 : memref<100000x128xf32, #tpu.memory_space<hbm>>) dst(%arg6 : memref<128x128xf32, #tpu.memory_space<vmem>>)
    %dma_start3A_57 = arith.constant 0 : i32
    %dma_start3A_58 = arith.constant 0 : i32
    %dma_start3A_59 = tpu.memref_slice %arg4[%dma_start3A_57, %mul3A_2, %dma_start3A_58] : memref<50x4096x128xf32, #tpu.memory_space<hbm>> -> memref<1x128x128xf32, #tpu.memory_space<hbm>>
    %dma_start3A_60 = tpu.memref_squeeze %dma_start3A_59 : memref<1x128x128xf32, #tpu.memory_space<hbm>> -> memref<128x128xf32, #tpu.memory_space<hbm>>
    %dma_start3A_61 = arith.constant 0 : i32
    %dma_start3A_62 = tpu.memref_slice %arg4[%dma_start3A_57, %mul3A_2, %dma_start3A_61] : memref<50x4096x128xf32, #tpu.memory_space<hbm>> -> memref<1x128x128xf32, #tpu.memory_space<hbm>>
    %dma_start3A_63 = tpu.memref_squeeze %dma_start3A_62 : memref<1x128x128xf32, #tpu.memory_space<hbm>> -> memref<128x128xf32, #tpu.memory_space<hbm>>
    tpu.enqueue_dma source(%arg6 : memref<128x128xf32, #tpu.memory_space<vmem>>) target(%dma_start3A_63 : memref<128x128xf32, #tpu.memory_space<hbm>>) target_semaphore(%arg20 : memref<!tpu.dma_semaphore, #tpu.memory_space<semaphore_mem>>)
    %dma_wait3A_64 = arith.constant 0 : i32
    %dma_wait3A_65 = arith.constant 0 : i32
    %dma_wait3A_66 = tpu.memref_slice %arg4[%dma_wait3A_64, %mul3A_2, %dma_wait3A_65] : memref<50x4096x128xf32, #tpu.memory_space<hbm>> -> memref<1x128x128xf32, #tpu.memory_space<hbm>>
    %dma_wait3A_67 = tpu.memref_squeeze %dma_wait3A_66 : memref<1x128x128xf32, #tpu.memory_space<hbm>> -> memref<128x128xf32, #tpu.memory_space<hbm>>
    %dma_wait3A_68 = arith.constant 0 : i32
    %dma_wait3A_69 = tpu.memref_slice %arg4[%dma_wait3A_64, %mul3A_2, %dma_wait3A_68] : memref<50x4096x128xf32, #tpu.memory_space<hbm>> -> memref<1x128x128xf32, #tpu.memory_space<hbm>>
    %dma_wait3A_70 = tpu.memref_squeeze %dma_wait3A_69 : memref<1x128x128xf32, #tpu.memory_space<hbm>> -> memref<128x128xf32, #tpu.memory_space<hbm>>
    tpu.wait_dma2 semaphore(%arg20 : memref<!tpu.dma_semaphore, #tpu.memory_space<semaphore_mem>>) src(%arg6 : memref<128x128xf32, #tpu.memory_space<vmem>>) dst(%dma_wait3A_70 : memref<128x128xf32, #tpu.memory_space<hbm>>)
    %dma_start3A_71 = arith.constant 7 : i32
    %dma_start3A_72 = arith.constant 0 : i32
    %dma_start3A_73 = tpu.memref_slice %arg5[%dma_start3A_71, %dma_start3A_72] : memref<50x128xi32, #tpu.memory_space<vmem>> -> memref<1x128xi32, #tpu.memory_space<vmem>>
    %dma_start3A_74 = tpu.memref_squeeze %dma_start3A_73 : memref<1x128xi32, #tpu.memory_space<vmem>> -> memref<128xi32, #tpu.memory_space<vmem>>
    %dma_start3A_75 = arith.constant 0 : i32
    %dma_start3A_76 = arith.constant 0 : i32
    %dma_start3A_77 = tpu.memref_slice %arg2[%dma_start3A_75, %dma_start3A_76] : memref<100000x128xf32, #tpu.memory_space<hbm>> -> memref<100000x128xf32, #tpu.memory_space<hbm>>
    tpu.enqueue_indirect_dma source(%dma_start3A_77 : memref<100000x128xf32, #tpu.memory_space<hbm>>) target(%arg6 : memref<128x128xf32, #tpu.memory_space<vmem>>) offsets(%dma_start3A_74 : memref<128xi32, #tpu.memory_space<vmem>>) semaphore(%arg13 : memref<!tpu.dma_semaphore, #tpu.memory_space<semaphore_mem>>)
    %dma_wait3A_78 = arith.constant 0 : i32
    %dma_wait3A_79 = arith.constant 0 : i32
    %dma_wait3A_80 = tpu.memref_slice %arg5[%dma_wait3A_78, %dma_wait3A_79] : memref<50x128xi32, #tpu.memory_space<vmem>> -> memref<1x128xi32, #tpu.memory_space<vmem>>
    %dma_wait3A_81 = tpu.memref_squeeze %dma_wait3A_80 : memref<1x128xi32, #tpu.memory_space<vmem>> -> memref<128xi32, #tpu.memory_space<vmem>>
    %dma_wait3A_82 = arith.constant 0 : i32
    %dma_wait3A_83 = arith.constant 0 : i32
    %dma_wait3A_84 = tpu.memref_slice %arg2[%dma_wait3A_82, %dma_wait3A_83] : memref<100000x128xf32, #tpu.memory_space<hbm>> -> memref<100000x128xf32, #tpu.memory_space<hbm>>
    tpu.wait_indirect_dma semaphore(%arg14 : memref<!tpu.dma_semaphore, #tpu.memory_space<semaphore_mem>>) src(%dma_wait3A_84 : memref<100000x128xf32, #tpu.memory_space<hbm>>) dst(%arg7 : memref<128x128xf32, #tpu.memory_space<vmem>>)
    %dma_start3A_85 = arith.constant 1 : i32
    %dma_start3A_86 = arith.constant 0 : i32
    %dma_start3A_87 = tpu.memref_slice %arg4[%dma_start3A_85, %mul3A_2, %dma_start3A_86] : memref<50x4096x128xf32, #tpu.memory_space<hbm>> -> memref<1x128x128xf32, #tpu.memory_space<hbm>>
    %dma_start3A_88 = tpu.memref_squeeze %dma_start3A_87 : memref<1x128x128xf32, #tpu.memory_space<hbm>> -> memref<128x128xf32, #tpu.memory_space<hbm>>
    %dma_start3A_89 = arith.constant 0 : i32
    %dma_start3A_90 = tpu.memref_slice %arg4[%dma_start3A_85, %mul3A_2, %dma_start3A_89] : memref<50x4096x128xf32, #tpu.memory_space<hbm>> -> memref<1x128x128xf32, #tpu.memory_space<hbm>>
    %dma_start3A_91 = tpu.memref_squeeze %dma_start3A_90 : memref<1x128x128xf32, #tpu.memory_space<hbm>> -> memref<128x128xf32, #tpu.memory_space<hbm>>
    tpu.enqueue_dma source(%arg7 : memref<128x128xf32, #tpu.memory_space<vmem>>) target(%dma_start3A_91 : memref<128x128xf32, #tpu.memory_space<hbm>>) target_semaphore(%arg21 : memref<!tpu.dma_semaphore, #tpu.memory_space<semaphore_mem>>)
    %dma_wait3A_92 = arith.constant 0 : i32
    %dma_wait3A_93 = arith.constant 0 : i32
    %dma_wait3A_94 = tpu.memref_slice %arg4[%dma_wait3A_92, %mul3A_2, %dma_wait3A_93] : memref<50x4096x128xf32, #tpu.memory_space<hbm>> -> memref<1x128x128xf32, #tpu.memory_space<hbm>>
    %dma_wait3A_95 = tpu.memref_squeeze %dma_wait3A_94 : memref<1x128x128xf32, #tpu.memory_space<hbm>> -> memref<128x128xf32, #tpu.memory_space<hbm>>
    %dma_wait3A_96 = arith.constant 0 : i32
    %dma_wait3A_97 = tpu.memref_slice %arg4[%dma_wait3A_92, %mul3A_2, %dma_wait3A_96] : memref<50x4096x128xf32, #tpu.memory_space<hbm>> -> memref<1x128x128xf32, #tpu.memory_space<hbm>>
    %dma_wait3A_98 = tpu.memref_squeeze %dma_wait3A_97 : memref<1x128x128xf32, #tpu.memory_space<hbm>> -> memref<128x128xf32, #tpu.memory_space<hbm>>
    tpu.wait_dma2 semaphore(%arg21 : memref<!tpu.dma_semaphore, #tpu.memory_space<semaphore_mem>>) src(%arg7 : memref<128x128xf32, #tpu.memory_space<vmem>>) dst(%dma_wait3A_98 : memref<128x128xf32, #tpu.memory_space<hbm>>)
    %dma_start3A_99 = arith.constant 8 : i32
    %dma_start3A_100 = arith.constant 0 : i32
    %dma_start3A_101 = tpu.memref_slice %arg5[%dma_start3A_99, %dma_start3A_100] : memref<50x128xi32, #tpu.memory_space<vmem>> -> memref<1x128xi32, #tpu.memory_space<vmem>>
    %dma_start3A_102 = tpu.memref_squeeze %dma_start3A_101 : memref<1x128xi32, #tpu.memory_space<vmem>> -> memref<128xi32, #tpu.memory_space<vmem>>
    %dma_start3A_103 = arith.constant 0 : i32
    %dma_start3A_104 = arith.constant 0 : i32
    %dma_start3A_105 = tpu.memref_slice %arg2[%dma_start3A_103, %dma_start3A_104] : memref<100000x128xf32, #tpu.memory_space<hbm>> -> memref<100000x128xf32, #tpu.memory_space<hbm>>
    tpu.enqueue_indirect_dma source(%dma_start3A_105 : memref<100000x128xf32, #tpu.memory_space<hbm>>) target(%arg7 : memref<128x128xf32, #tpu.memory_space<vmem>>) offsets(%dma_start3A_102 : memref<128xi32, #tpu.memory_space<vmem>>) semaphore(%arg14 : memref<!tpu.dma_semaphore, #tpu.memory_space<semaphore_mem>>)
    %dma_wait3A_106 = arith.constant 0 : i32
    %dma_wait3A_107 = arith.constant 0 : i32
    %dma_wait3A_108 = tpu.memref_slice %arg5[%dma_wait3A_106, %dma_wait3A_107] : memref<50x128xi32, #tpu.memory_space<vmem>> -> memref<1x128xi32, #tpu.memory_space<vmem>>
    %dma_wait3A_109 = tpu.memref_squeeze %dma_wait3A_108 : memref<1x128xi32, #tpu.memory_space<vmem>> -> memref<128xi32, #tpu.memory_space<vmem>>
    %dma_wait3A_110 = arith.constant 0 : i32
    %dma_wait3A_111 = arith.constant 0 : i32
    %dma_wait3A_112 = tpu.memref_slice %arg2[%dma_wait3A_110, %dma_wait3A_111] : memref<100000x128xf32, #tpu.memory_space<hbm>> -> memref<100000x128xf32, #tpu.memory_space<hbm>>
    tpu.wait_indirect_dma semaphore(%arg15 : memref<!tpu.dma_semaphore, #tpu.memory_space<semaphore_mem>>) src(%dma_wait3A_112 : memref<100000x128xf32, #tpu.memory_space<hbm>>) dst(%arg8 : memref<128x128xf32, #tpu.memory_space<vmem>>)
    %dma_start3A_113 = arith.constant 2 : i32
    %dma_start3A_114 = arith.constant 0 : i32
    %dma_start3A_115 = tpu.memref_slice %arg4[%dma_start3A_113, %mul3A_2, %dma_start3A_114] : memref<50x4096x128xf32, #tpu.memory_space<hbm>> -> memref<1x128x128xf32, #tpu.memory_space<hbm>>
    %dma_start3A_116 = tpu.memref_squeeze %dma_start3A_115 : memref<1x128x128xf32, #tpu.memory_space<hbm>> -> memref<128x128xf32, #tpu.memory_space<hbm>>
    %dma_start3A_117 = arith.constant 0 : i32
    %dma_start3A_118 = tpu.memref_slice %arg4[%dma_start3A_113, %mul3A_2, %dma_start3A_117] : memref<50x4096x128xf32, #tpu.memory_space<hbm>> -> memref<1x128x128xf32, #tpu.memory_space<hbm>>
    %dma_start3A_119 = tpu.memref_squeeze %dma_start3A_118 : memref<1x128x128xf32, #tpu.memory_space<hbm>> -> memref<128x128xf32, #tpu.memory_space<hbm>>
    tpu.enqueue_dma source(%arg8 : memref<128x128xf32, #tpu.memory_space<vmem>>) target(%dma_start3A_119 : memref<128x128xf32, #tpu.memory_space<hbm>>) target_semaphore(%arg22 : memref<!tpu.dma_semaphore, #tpu.memory_space<semaphore_mem>>)
    %dma_wait3A_120 = arith.constant 0 : i32
    %dma_wait3A_121 = arith.constant 0 : i32
    %dma_wait3A_122 = tpu.memref_slice %arg4[%dma_wait3A_120, %mul3A_2, %dma_wait3A_121] : memref<50x4096x128xf32, #tpu.memory_space<hbm>> -> memref<1x128x128xf32, #tpu.memory_space<hbm>>
    %dma_wait3A_123 = tpu.memref_squeeze %dma_wait3A_122 : memref<1x128x128xf32, #tpu.memory_space<hbm>> -> memref<128x128xf32, #tpu.memory_space<hbm>>
    %dma_wait3A_124 = arith.constant 0 : i32
    %dma_wait3A_125 = tpu.memref_slice %arg4[%dma_wait3A_120, %mul3A_2, %dma_wait3A_124] : memref<50x4096x128xf32, #tpu.memory_space<hbm>> -> memref<1x128x128xf32, #tpu.memory_space<hbm>>
    %dma_wait3A_126 = tpu.memref_squeeze %dma_wait3A_125 : memref<1x128x128xf32, #tpu.memory_space<hbm>> -> memref<128x128xf32, #tpu.memory_space<hbm>>
    tpu.wait_dma2 semaphore(%arg22 : memref<!tpu.dma_semaphore, #tpu.memory_space<semaphore_mem>>) src(%arg8 : memref<128x128xf32, #tpu.memory_space<vmem>>) dst(%dma_wait3A_126 : memref<128x128xf32, #tpu.memory_space<hbm>>)
    %dma_start3A_127 = arith.constant 9 : i32
    %dma_start3A_128 = arith.constant 0 : i32
    %dma_start3A_129 = tpu.memref_slice %arg5[%dma_start3A_127, %dma_start3A_128] : memref<50x128xi32, #tpu.memory_space<vmem>> -> memref<1x128xi32, #tpu.memory_space<vmem>>
    %dma_start3A_130 = tpu.memref_squeeze %dma_start3A_129 : memref<1x128xi32, #tpu.memory_space<vmem>> -> memref<128xi32, #tpu.memory_space<vmem>>
    %dma_start3A_131 = arith.constant 0 : i32
    %dma_start3A_132 = arith.constant 0 : i32
    %dma_start3A_133 = tpu.memref_slice %arg2[%dma_start3A_131, %dma_start3A_132] : memref<100000x128xf32, #tpu.memory_space<hbm>> -> memref<100000x128xf32, #tpu.memory_space<hbm>>
    tpu.enqueue_indirect_dma source(%dma_start3A_133 : memref<100000x128xf32, #tpu.memory_space<hbm>>) target(%arg8 : memref<128x128xf32, #tpu.memory_space<vmem>>) offsets(%dma_start3A_130 : memref<128xi32, #tpu.memory_space<vmem>>) semaphore(%arg15 : memref<!tpu.dma_semaphore, #tpu.memory_space<semaphore_mem>>)
    %dma_wait3A_134 = arith.constant 0 : i32
    %dma_wait3A_135 = arith.constant 0 : i32
    %dma_wait3A_136 = tpu.memref_slice %arg5[%dma_wait3A_134, %dma_wait3A_135] : memref<50x128xi32, #tpu.memory_space<vmem>> -> memref<1x128xi32, #tpu.memory_space<vmem>>
    %dma_wait3A_137 = tpu.memref_squeeze %dma_wait3A_136 : memref<1x128xi32, #tpu.memory_space<vmem>> -> memref<128xi32, #tpu.memory_space<vmem>>
    %dma_wait3A_138 = arith.constant 0 : i32
    %dma_wait3A_139 = arith.constant 0 : i32
    %dma_wait3A_140 = tpu.memref_slice %arg2[%dma_wait3A_138, %dma_wait3A_139] : memref<100000x128xf32, #tpu.memory_space<hbm>> -> memref<100000x128xf32, #tpu.memory_space<hbm>>
    tpu.wait_indirect_dma semaphore(%arg16 : memref<!tpu.dma_semaphore, #tpu.memory_space<semaphore_mem>>) src(%dma_wait3A_140 : memref<100000x128xf32, #tpu.memory_space<hbm>>) dst(%arg9 : memref<128x128xf32, #tpu.memory_space<vmem>>)
    %dma_start3A_141 = arith.constant 3 : i32
    %dma_start3A_142 = arith.constant 0 : i32
    %dma_start3A_143 = tpu.memref_slice %arg4[%dma_start3A_141, %mul3A_2, %dma_start3A_142] : memref<50x4096x128xf32, #tpu.memory_space<hbm>> -> memref<1x128x128xf32, #tpu.memory_space<hbm>>
    %dma_start3A_144 = tpu.memref_squeeze %dma_start3A_143 : memref<1x128x128xf32, #tpu.memory_space<hbm>> -> memref<128x128xf32, #tpu.memory_space<hbm>>
    %dma_start3A_145 = arith.constant 0 : i32
    %dma_start3A_146 = tpu.memref_slice %arg4[%dma_start3A_141, %mul3A_2, %dma_start3A_145] : memref<50x4096x128xf32, #tpu.memory_space<hbm>> -> memref<1x128x128xf32, #tpu.memory_space<hbm>>
    %dma_start3A_147 = tpu.memref_squeeze %dma_start3A_146 : memref<1x128x128xf32, #tpu.memory_space<hbm>> -> memref<128x128xf32, #tpu.memory_space<hbm>>
    tpu.enqueue_dma source(%arg9 : memref<128x128xf32, #tpu.memory_space<vmem>>) target(%dma_start3A_147 : memref<128x128xf32, #tpu.memory_space<hbm>>) target_semaphore(%arg23 : memref<!tpu.dma_semaphore, #tpu.memory_space<semaphore_mem>>)
    %dma_wait3A_148 = arith.constant 0 : i32
    %dma_wait3A_149 = arith.constant 0 : i32
    %dma_wait3A_150 = tpu.memref_slice %arg4[%dma_wait3A_148, %mul3A_2, %dma_wait3A_149] : memref<50x4096x128xf32, #tpu.memory_space<hbm>> -> memref<1x128x128xf32, #tpu.memory_space<hbm>>
    %dma_wait3A_151 = tpu.memref_squeeze %dma_wait3A_150 : memref<1x128x128xf32, #tpu.memory_space<hbm>> -> memref<128x128xf32, #tpu.memory_space<hbm>>
    %dma_wait3A_152 = arith.constant 0 : i32
    %dma_wait3A_153 = tpu.memref_slice %arg4[%dma_wait3A_148, %mul3A_2, %dma_wait3A_152] : memref<50x4096x128xf32, #tpu.memory_space<hbm>> -> memref<1x128x128xf32, #tpu.memory_space<hbm>>
    %dma_wait3A_154 = tpu.memref_squeeze %dma_wait3A_153 : memref<1x128x128xf32, #tpu.memory_space<hbm>> -> memref<128x128xf32, #tpu.memory_space<hbm>>
    tpu.wait_dma2 semaphore(%arg23 : memref<!tpu.dma_semaphore, #tpu.memory_space<semaphore_mem>>) src(%arg9 : memref<128x128xf32, #tpu.memory_space<vmem>>) dst(%dma_wait3A_154 : memref<128x128xf32, #tpu.memory_space<hbm>>)
    %dma_start3A_155 = arith.constant 10 : i32
    %dma_start3A_156 = arith.constant 0 : i32
    %dma_start3A_157 = tpu.memref_slice %arg5[%dma_start3A_155, %dma_start3A_156] : memref<50x128xi32, #tpu.memory_space<vmem>> -> memref<1x128xi32, #tpu.memory_space<vmem>>
    %dma_start3A_158 = tpu.memref_squeeze %dma_start3A_157 : memref<1x128xi32, #tpu.memory_space<vmem>> -> memref<128xi32, #tpu.memory_space<vmem>>
    %dma_start3A_159 = arith.constant 0 : i32
    %dma_start3A_160 = arith.constant 0 : i32
    %dma_start3A_161 = tpu.memref_slice %arg2[%dma_start3A_159, %dma_start3A_160] : memref<100000x128xf32, #tpu.memory_space<hbm>> -> memref<100000x128xf32, #tpu.memory_space<hbm>>
    tpu.enqueue_indirect_dma source(%dma_start3A_161 : memref<100000x128xf32, #tpu.memory_space<hbm>>) target(%arg9 : memref<128x128xf32, #tpu.memory_space<vmem>>) offsets(%dma_start3A_158 : memref<128xi32, #tpu.memory_space<vmem>>) semaphore(%arg16 : memref<!tpu.dma_semaphore, #tpu.memory_space<semaphore_mem>>)
    %dma_wait3A_162 = arith.constant 0 : i32
    %dma_wait3A_163 = arith.constant 0 : i32
    %dma_wait3A_164 = tpu.memref_slice %arg5[%dma_wait3A_162, %dma_wait3A_163] : memref<50x128xi32, #tpu.memory_space<vmem>> -> memref<1x128xi32, #tpu.memory_space<vmem>>
    %dma_wait3A_165 = tpu.memref_squeeze %dma_wait3A_164 : memref<1x128xi32, #tpu.memory_space<vmem>> -> memref<128xi32, #tpu.memory_space<vmem>>
    %dma_wait3A_166 = arith.constant 0 : i32
    %dma_wait3A_167 = arith.constant 0 : i32
    %dma_wait3A_168 = tpu.memref_slice %arg2[%dma_wait3A_166, %dma_wait3A_167] : memref<100000x128xf32, #tpu.memory_space<hbm>> -> memref<100000x128xf32, #tpu.memory_space<hbm>>
    tpu.wait_indirect_dma semaphore(%arg17 : memref<!tpu.dma_semaphore, #tpu.memory_space<semaphore_mem>>) src(%dma_wait3A_168 : memref<100000x128xf32, #tpu.memory_space<hbm>>) dst(%arg10 : memref<128x128xf32, #tpu.memory_space<vmem>>)
    %dma_start3A_169 = arith.constant 4 : i32
    %dma_start3A_170 = arith.constant 0 : i32
    %dma_start3A_171 = tpu.memref_slice %arg4[%dma_start3A_169, %mul3A_2, %dma_start3A_170] : memref<50x4096x128xf32, #tpu.memory_space<hbm>> -> memref<1x128x128xf32, #tpu.memory_space<hbm>>
    %dma_start3A_172 = tpu.memref_squeeze %dma_start3A_171 : memref<1x128x128xf32, #tpu.memory_space<hbm>> -> memref<128x128xf32, #tpu.memory_space<hbm>>
    %dma_start3A_173 = arith.constant 0 : i32
    %dma_start3A_174 = tpu.memref_slice %arg4[%dma_start3A_169, %mul3A_2, %dma_start3A_173] : memref<50x4096x128xf32, #tpu.memory_space<hbm>> -> memref<1x128x128xf32, #tpu.memory_space<hbm>>
    %dma_start3A_175 = tpu.memref_squeeze %dma_start3A_174 : memref<1x128x128xf32, #tpu.memory_space<hbm>> -> memref<128x128xf32, #tpu.memory_space<hbm>>
    tpu.enqueue_dma source(%arg10 : memref<128x128xf32, #tpu.memory_space<vmem>>) target(%dma_start3A_175 : memref<128x128xf32, #tpu.memory_space<hbm>>) target_semaphore(%arg24 : memref<!tpu.dma_semaphore, #tpu.memory_space<semaphore_mem>>)
    %dma_wait3A_176 = arith.constant 0 : i32
    %dma_wait3A_177 = arith.constant 0 : i32
    %dma_wait3A_178 = tpu.memref_slice %arg4[%dma_wait3A_176, %mul3A_2, %dma_wait3A_177] : memref<50x4096x128xf32, #tpu.memory_space<hbm>> -> memref<1x128x128xf32, #tpu.memory_space<hbm>>
    %dma_wait3A_179 = tpu.memref_squeeze %dma_wait3A_178 : memref<1x128x128xf32, #tpu.memory_space<hbm>> -> memref<128x128xf32, #tpu.memory_space<hbm>>
    %dma_wait3A_180 = arith.constant 0 : i32
    %dma_wait3A_181 = tpu.memref_slice %arg4[%dma_wait3A_176, %mul3A_2, %dma_wait3A_180] : memref<50x4096x128xf32, #tpu.memory_space<hbm>> -> memref<1x128x128xf32, #tpu.memory_space<hbm>>
    %dma_wait3A_182 = tpu.memref_squeeze %dma_wait3A_181 : memref<1x128x128xf32, #tpu.memory_space<hbm>> -> memref<128x128xf32, #tpu.memory_space<hbm>>
    tpu.wait_dma2 semaphore(%arg24 : memref<!tpu.dma_semaphore, #tpu.memory_space<semaphore_mem>>) src(%arg10 : memref<128x128xf32, #tpu.memory_space<vmem>>) dst(%dma_wait3A_182 : memref<128x128xf32, #tpu.memory_space<hbm>>)
    %dma_start3A_183 = arith.constant 11 : i32
    %dma_start3A_184 = arith.constant 0 : i32
    %dma_start3A_185 = tpu.memref_slice %arg5[%dma_start3A_183, %dma_start3A_184] : memref<50x128xi32, #tpu.memory_space<vmem>> -> memref<1x128xi32, #tpu.memory_space<vmem>>
    %dma_start3A_186 = tpu.memref_squeeze %dma_start3A_185 : memref<1x128xi32, #tpu.memory_space<vmem>> -> memref<128xi32, #tpu.memory_space<vmem>>
    %dma_start3A_187 = arith.constant 0 : i32
    %dma_start3A_188 = arith.constant 0 : i32
    %dma_start3A_189 = tpu.memref_slice %arg2[%dma_start3A_187, %dma_start3A_188] : memref<100000x128xf32, #tpu.memory_space<hbm>> -> memref<100000x128xf32, #tpu.memory_space<hbm>>
    tpu.enqueue_indirect_dma source(%dma_start3A_189 : memref<100000x128xf32, #tpu.memory_space<hbm>>) target(%arg10 : memref<128x128xf32, #tpu.memory_space<vmem>>) offsets(%dma_start3A_186 : memref<128xi32, #tpu.memory_space<vmem>>) semaphore(%arg17 : memref<!tpu.dma_semaphore, #tpu.memory_space<semaphore_mem>>)
    %dma_wait3A_190 = arith.constant 0 : i32
    %dma_wait3A_191 = arith.constant 0 : i32
    %dma_wait3A_192 = tpu.memref_slice %arg5[%dma_wait3A_190, %dma_wait3A_191] : memref<50x128xi32, #tpu.memory_space<vmem>> -> memref<1x128xi32, #tpu.memory_space<vmem>>
    %dma_wait3A_193 = tpu.memref_squeeze %dma_wait3A_192 : memref<1x128xi32, #tpu.memory_space<vmem>> -> memref<128xi32, #tpu.memory_space<vmem>>
    %dma_wait3A_194 = arith.constant 0 : i32
    %dma_wait3A_195 = arith.constant 0 : i32
    %dma_wait3A_196 = tpu.memref_slice %arg2[%dma_wait3A_194, %dma_wait3A_195] : memref<100000x128xf32, #tpu.memory_space<hbm>> -> memref<100000x128xf32, #tpu.memory_space<hbm>>
    tpu.wait_indirect_dma semaphore(%arg18 : memref<!tpu.dma_semaphore, #tpu.memory_space<semaphore_mem>>) src(%dma_wait3A_196 : memref<100000x128xf32, #tpu.memory_space<hbm>>) dst(%arg11 : memref<128x128xf32, #tpu.memory_space<vmem>>)
    %dma_start3A_197 = arith.constant 5 : i32
    %dma_start3A_198 = arith.constant 0 : i32
    %dma_start3A_199 = tpu.memref_slice %arg4[%dma_start3A_197, %mul3A_2, %dma_start3A_198] : memref<50x4096x128xf32, #tpu.memory_space<hbm>> -> memref<1x128x128xf32, #tpu.memory_space<hbm>>
    %dma_start3A_200 = tpu.memref_squeeze %dma_start3A_199 : memref<1x128x128xf32, #tpu.memory_space<hbm>> -> memref<128x128xf32, #tpu.memory_space<hbm>>
    %dma_start3A_201 = arith.constant 0 : i32
    %dma_start3A_202 = tpu.memref_slice %arg4[%dma_start3A_197, %mul3A_2, %dma_start3A_201] : memref<50x4096x128xf32, #tpu.memory_space<hbm>> -> memref<1x128x128xf32, #tpu.memory_space<hbm>>
    %dma_start3A_203 = tpu.memref_squeeze %dma_start3A_202 : memref<1x128x128xf32, #tpu.memory_space<hbm>> -> memref<128x128xf32, #tpu.memory_space<hbm>>
    tpu.enqueue_dma source(%arg11 : memref<128x128xf32, #tpu.memory_space<vmem>>) target(%dma_start3A_203 : memref<128x128xf32, #tpu.memory_space<hbm>>) target_semaphore(%arg25 : memref<!tpu.dma_semaphore, #tpu.memory_space<semaphore_mem>>)
    %dma_wait3A_204 = arith.constant 0 : i32
    %dma_wait3A_205 = arith.constant 0 : i32
    %dma_wait3A_206 = tpu.memref_slice %arg4[%dma_wait3A_204, %mul3A_2, %dma_wait3A_205] : memref<50x4096x128xf32, #tpu.memory_space<hbm>> -> memref<1x128x128xf32, #tpu.memory_space<hbm>>
    %dma_wait3A_207 = tpu.memref_squeeze %dma_wait3A_206 : memref<1x128x128xf32, #tpu.memory_space<hbm>> -> memref<128x128xf32, #tpu.memory_space<hbm>>
    %dma_wait3A_208 = arith.constant 0 : i32
    %dma_wait3A_209 = tpu.memref_slice %arg4[%dma_wait3A_204, %mul3A_2, %dma_wait3A_208] : memref<50x4096x128xf32, #tpu.memory_space<hbm>> -> memref<1x128x128xf32, #tpu.memory_space<hbm>>
    %dma_wait3A_210 = tpu.memref_squeeze %dma_wait3A_209 : memref<1x128x128xf32, #tpu.memory_space<hbm>> -> memref<128x128xf32, #tpu.memory_space<hbm>>
    tpu.wait_dma2 semaphore(%arg25 : memref<!tpu.dma_semaphore, #tpu.memory_space<semaphore_mem>>) src(%arg11 : memref<128x128xf32, #tpu.memory_space<vmem>>) dst(%dma_wait3A_210 : memref<128x128xf32, #tpu.memory_space<hbm>>)
    %dma_start3A_211 = arith.constant 12 : i32
    %dma_start3A_212 = arith.constant 0 : i32
    %dma_start3A_213 = tpu.memref_slice %arg5[%dma_start3A_211, %dma_start3A_212] : memref<50x128xi32, #tpu.memory_space<vmem>> -> memref<1x128xi32, #tpu.memory_space<vmem>>
    %dma_start3A_214 = tpu.memref_squeeze %dma_start3A_213 : memref<1x128xi32, #tpu.memory_space<vmem>> -> memref<128xi32, #tpu.memory_space<vmem>>
    %dma_start3A_215 = arith.constant 0 : i32
    %dma_start3A_216 = arith.constant 0 : i32
    %dma_start3A_217 = tpu.memref_slice %arg2[%dma_start3A_215, %dma_start3A_216] : memref<100000x128xf32, #tpu.memory_space<hbm>> -> memref<100000x128xf32, #tpu.memory_space<hbm>>
    tpu.enqueue_indirect_dma source(%dma_start3A_217 : memref<100000x128xf32, #tpu.memory_space<hbm>>) target(%arg11 : memref<128x128xf32, #tpu.memory_space<vmem>>) offsets(%dma_start3A_214 : memref<128xi32, #tpu.memory_space<vmem>>) semaphore(%arg18 : memref<!tpu.dma_semaphore, #tpu.memory_space<semaphore_mem>>)
    %dma_wait3A_218 = arith.constant 0 : i32
    %dma_wait3A_219 = arith.constant 0 : i32
    %dma_wait3A_220 = tpu.memref_slice %arg5[%dma_wait3A_218, %dma_wait3A_219] : memref<50x128xi32, #tpu.memory_space<vmem>> -> memref<1x128xi32, #tpu.memory_space<vmem>>
    %dma_wait3A_221 = tpu.memref_squeeze %dma_wait3A_220 : memref<1x128xi32, #tpu.memory_space<vmem>> -> memref<128xi32, #tpu.memory_space<vmem>>
    %dma_wait3A_222 = arith.constant 0 : i32
    %dma_wait3A_223 = arith.constant 0 : i32
    %dma_wait3A_224 = tpu.memref_slice %arg2[%dma_wait3A_222, %dma_wait3A_223] : memref<100000x128xf32, #tpu.memory_space<hbm>> -> memref<100000x128xf32, #tpu.memory_space<hbm>>
    tpu.wait_indirect_dma semaphore(%arg19 : memref<!tpu.dma_semaphore, #tpu.memory_space<semaphore_mem>>) src(%dma_wait3A_224 : memref<100000x128xf32, #tpu.memory_space<hbm>>) dst(%arg12 : memref<128x128xf32, #tpu.memory_space<vmem>>)
    %dma_start3A_225 = arith.constant 6 : i32
    %dma_start3A_226 = arith.constant 0 : i32
    %dma_start3A_227 = tpu.memref_slice %arg4[%dma_start3A_225, %mul3A_2, %dma_start3A_226] : memref<50x4096x128xf32, #tpu.memory_space<hbm>> -> memref<1x128x128xf32, #tpu.memory_space<hbm>>
    %dma_start3A_228 = tpu.memref_squeeze %dma_start3A_227 : memref<1x128x128xf32, #tpu.memory_space<hbm>> -> memref<128x128xf32, #tpu.memory_space<hbm>>
    %dma_start3A_229 = arith.constant 0 : i32
    %dma_start3A_230 = tpu.memref_slice %arg4[%dma_start3A_225, %mul3A_2, %dma_start3A_229] : memref<50x4096x128xf32, #tpu.memory_space<hbm>> -> memref<1x128x128xf32, #tpu.memory_space<hbm>>
    %dma_start3A_231 = tpu.memref_squeeze %dma_start3A_230 : memref<1x128x128xf32, #tpu.memory_space<hbm>> -> memref<128x128xf32, #tpu.memory_space<hbm>>
    tpu.enqueue_dma source(%arg12 : memref<128x128xf32, #tpu.memory_space<vmem>>) target(%dma_start3A_231 : memref<128x128xf32, #tpu.memory_space<hbm>>) target_semaphore(%arg26 : memref<!tpu.dma_semaphore, #tpu.memory_space<semaphore_mem>>)
    %scan3A = arith.constant 0 : i32
    %scan3A_232 = arith.constant 7 : i32
    %scan3A_233 = arith.addi %scan3A, %scan3A_232 : i32
    %scan3A_234 = arith.constant 1 : i32
    scf.for %scan3A_285 = %scan3A to %scan3A_233 step %scan3A_234  : i32 {
      %mul3A_286 = arith.constant 7 : i32
      %mul3A_287 = arith.muli %scan3A_285, %mul3A_286 : i32
      %add3A_288 = arith.constant 7 : i32
      %add3A_289 = arith.addi %add3A_288, %mul3A_287 : i32
      %add3A_290 = arith.constant 0 : i32
      %add3A_291 = arith.addi %add3A_289, %add3A_290 : i32
      %add3A_292 = arith.constant 6 : i32
      %add3A_293 = arith.addi %add3A_291, %add3A_292 : i32
      %lt3A = arith.constant 50 : i32
      %lt3A_294 = arith.cmpi slt, %add3A_293, %lt3A : i32
      %convert_element_type3A = arith.extui %lt3A_294 : i1 to i32
      %cond3A = arith.constant 0 : i32
      %cond3A_295 = arith.cmpi ne, %convert_element_type3A, %cond3A : i32
      scf.if %cond3A_295 {
        %dma_wait3A_385 = arith.constant 0 : i32
        %dma_wait3A_386 = arith.constant 0 : i32
        %dma_wait3A_387 = tpu.memref_slice %arg4[%dma_wait3A_385, %mul3A_2, %dma_wait3A_386] : memref<50x4096x128xf32, #tpu.memory_space<hbm>> -> memref<1x128x128xf32, #tpu.memory_space<hbm>>
        %dma_wait3A_388 = tpu.memref_squeeze %dma_wait3A_387 : memref<1x128x128xf32, #tpu.memory_space<hbm>> -> memref<128x128xf32, #tpu.memory_space<hbm>>
        %dma_wait3A_389 = arith.constant 0 : i32
        %dma_wait3A_390 = tpu.memref_slice %arg4[%dma_wait3A_385, %mul3A_2, %dma_wait3A_389] : memref<50x4096x128xf32, #tpu.memory_space<hbm>> -> memref<1x128x128xf32, #tpu.memory_space<hbm>>
        %dma_wait3A_391 = tpu.memref_squeeze %dma_wait3A_390 : memref<1x128x128xf32, #tpu.memory_space<hbm>> -> memref<128x128xf32, #tpu.memory_space<hbm>>
        tpu.wait_dma2 semaphore(%arg26 : memref<!tpu.dma_semaphore, #tpu.memory_space<semaphore_mem>>) src(%arg12 : memref<128x128xf32, #tpu.memory_space<vmem>>) dst(%dma_wait3A_391 : memref<128x128xf32, #tpu.memory_space<hbm>>)
        %dma_start3A_392 = arith.constant 0 : i32
        %dma_start3A_393 = tpu.memref_slice %arg5[%add3A_293, %dma_start3A_392] : memref<50x128xi32, #tpu.memory_space<vmem>> -> memref<1x128xi32, #tpu.memory_space<vmem>>
        %dma_start3A_394 = tpu.memref_squeeze %dma_start3A_393 : memref<1x128xi32, #tpu.memory_space<vmem>> -> memref<128xi32, #tpu.memory_space<vmem>>
        %dma_start3A_395 = arith.constant 0 : i32
        %dma_start3A_396 = arith.constant 0 : i32
        %dma_start3A_397 = tpu.memref_slice %arg2[%dma_start3A_395, %dma_start3A_396] : memref<100000x128xf32, #tpu.memory_space<hbm>> -> memref<100000x128xf32, #tpu.memory_space<hbm>>
        tpu.enqueue_indirect_dma source(%dma_start3A_397 : memref<100000x128xf32, #tpu.memory_space<hbm>>) target(%arg12 : memref<128x128xf32, #tpu.memory_space<vmem>>) offsets(%dma_start3A_394 : memref<128xi32, #tpu.memory_space<vmem>>) semaphore(%arg19 : memref<!tpu.dma_semaphore, #tpu.memory_space<semaphore_mem>>)
      } else {
      }
      %lt3A_296 = arith.constant 50 : i32
      %lt3A_297 = arith.cmpi slt, %add3A_291, %lt3A_296 : i32
      %convert_element_type3A_298 = arith.extui %lt3A_297 : i1 to i32
      %cond3A_299 = arith.constant 0 : i32
      %cond3A_300 = arith.cmpi ne, %convert_element_type3A_298, %cond3A_299 : i32
      scf.if %cond3A_300 {
        %dma_wait3A_385 = arith.constant 0 : i32
        %dma_wait3A_386 = arith.constant 0 : i32
        %dma_wait3A_387 = tpu.memref_slice %arg5[%dma_wait3A_385, %dma_wait3A_386] : memref<50x128xi32, #tpu.memory_space<vmem>> -> memref<1x128xi32, #tpu.memory_space<vmem>>
        %dma_wait3A_388 = tpu.memref_squeeze %dma_wait3A_387 : memref<1x128xi32, #tpu.memory_space<vmem>> -> memref<128xi32, #tpu.memory_space<vmem>>
        %dma_wait3A_389 = arith.constant 0 : i32
        %dma_wait3A_390 = arith.constant 0 : i32
        %dma_wait3A_391 = tpu.memref_slice %arg2[%dma_wait3A_389, %dma_wait3A_390] : memref<100000x128xf32, #tpu.memory_space<hbm>> -> memref<100000x128xf32, #tpu.memory_space<hbm>>
        tpu.wait_indirect_dma semaphore(%arg13 : memref<!tpu.dma_semaphore, #tpu.memory_space<semaphore_mem>>) src(%dma_wait3A_391 : memref<100000x128xf32, #tpu.memory_space<hbm>>) dst(%arg6 : memref<128x128xf32, #tpu.memory_space<vmem>>)
        %dma_start3A_392 = arith.constant 0 : i32
        %dma_start3A_393 = tpu.memref_slice %arg4[%add3A_291, %mul3A_2, %dma_start3A_392] : memref<50x4096x128xf32, #tpu.memory_space<hbm>> -> memref<1x128x128xf32, #tpu.memory_space<hbm>>
        %dma_start3A_394 = tpu.memref_squeeze %dma_start3A_393 : memref<1x128x128xf32, #tpu.memory_space<hbm>> -> memref<128x128xf32, #tpu.memory_space<hbm>>
        %dma_start3A_395 = arith.constant 0 : i32
        %dma_start3A_396 = tpu.memref_slice %arg4[%add3A_291, %mul3A_2, %dma_start3A_395] : memref<50x4096x128xf32, #tpu.memory_space<hbm>> -> memref<1x128x128xf32, #tpu.memory_space<hbm>>
        %dma_start3A_397 = tpu.memref_squeeze %dma_start3A_396 : memref<1x128x128xf32, #tpu.memory_space<hbm>> -> memref<128x128xf32, #tpu.memory_space<hbm>>
        tpu.enqueue_dma source(%arg6 : memref<128x128xf32, #tpu.memory_space<vmem>>) target(%dma_start3A_397 : memref<128x128xf32, #tpu.memory_space<hbm>>) target_semaphore(%arg20 : memref<!tpu.dma_semaphore, #tpu.memory_space<semaphore_mem>>)
      } else {
      }
      %add3A_301 = arith.constant 1 : i32
      %add3A_302 = arith.addi %add3A_289, %add3A_301 : i32
      %add3A_303 = arith.constant 6 : i32
      %add3A_304 = arith.addi %add3A_302, %add3A_303 : i32
      %lt3A_305 = arith.constant 50 : i32
      %lt3A_306 = arith.cmpi slt, %add3A_304, %lt3A_305 : i32
      %convert_element_type3A_307 = arith.extui %lt3A_306 : i1 to i32
      %cond3A_308 = arith.constant 0 : i32
      %cond3A_309 = arith.cmpi ne, %convert_element_type3A_307, %cond3A_308 : i32
      scf.if %cond3A_309 {
        %dma_wait3A_385 = arith.constant 0 : i32
        %dma_wait3A_386 = arith.constant 0 : i32
        %dma_wait3A_387 = tpu.memref_slice %arg4[%dma_wait3A_385, %mul3A_2, %dma_wait3A_386] : memref<50x4096x128xf32, #tpu.memory_space<hbm>> -> memref<1x128x128xf32, #tpu.memory_space<hbm>>
        %dma_wait3A_388 = tpu.memref_squeeze %dma_wait3A_387 : memref<1x128x128xf32, #tpu.memory_space<hbm>> -> memref<128x128xf32, #tpu.memory_space<hbm>>
        %dma_wait3A_389 = arith.constant 0 : i32
        %dma_wait3A_390 = tpu.memref_slice %arg4[%dma_wait3A_385, %mul3A_2, %dma_wait3A_389] : memref<50x4096x128xf32, #tpu.memory_space<hbm>> -> memref<1x128x128xf32, #tpu.memory_space<hbm>>
        %dma_wait3A_391 = tpu.memref_squeeze %dma_wait3A_390 : memref<1x128x128xf32, #tpu.memory_space<hbm>> -> memref<128x128xf32, #tpu.memory_space<hbm>>
        tpu.wait_dma2 semaphore(%arg20 : memref<!tpu.dma_semaphore, #tpu.memory_space<semaphore_mem>>) src(%arg6 : memref<128x128xf32, #tpu.memory_space<vmem>>) dst(%dma_wait3A_391 : memref<128x128xf32, #tpu.memory_space<hbm>>)
        %dma_start3A_392 = arith.constant 0 : i32
        %dma_start3A_393 = tpu.memref_slice %arg5[%add3A_304, %dma_start3A_392] : memref<50x128xi32, #tpu.memory_space<vmem>> -> memref<1x128xi32, #tpu.memory_space<vmem>>
        %dma_start3A_394 = tpu.memref_squeeze %dma_start3A_393 : memref<1x128xi32, #tpu.memory_space<vmem>> -> memref<128xi32, #tpu.memory_space<vmem>>
        %dma_start3A_395 = arith.constant 0 : i32
        %dma_start3A_396 = arith.constant 0 : i32
        %dma_start3A_397 = tpu.memref_slice %arg2[%dma_start3A_395, %dma_start3A_396] : memref<100000x128xf32, #tpu.memory_space<hbm>> -> memref<100000x128xf32, #tpu.memory_space<hbm>>
        tpu.enqueue_indirect_dma source(%dma_start3A_397 : memref<100000x128xf32, #tpu.memory_space<hbm>>) target(%arg6 : memref<128x128xf32, #tpu.memory_space<vmem>>) offsets(%dma_start3A_394 : memref<128xi32, #tpu.memory_space<vmem>>) semaphore(%arg13 : memref<!tpu.dma_semaphore, #tpu.memory_space<semaphore_mem>>)
      } else {
      }
      %lt3A_310 = arith.constant 50 : i32
      %lt3A_311 = arith.cmpi slt, %add3A_302, %lt3A_310 : i32
      %convert_element_type3A_312 = arith.extui %lt3A_311 : i1 to i32
      %cond3A_313 = arith.constant 0 : i32
      %cond3A_314 = arith.cmpi ne, %convert_element_type3A_312, %cond3A_313 : i32
      scf.if %cond3A_314 {
        %dma_wait3A_385 = arith.constant 0 : i32
        %dma_wait3A_386 = arith.constant 0 : i32
        %dma_wait3A_387 = tpu.memref_slice %arg5[%dma_wait3A_385, %dma_wait3A_386] : memref<50x128xi32, #tpu.memory_space<vmem>> -> memref<1x128xi32, #tpu.memory_space<vmem>>
        %dma_wait3A_388 = tpu.memref_squeeze %dma_wait3A_387 : memref<1x128xi32, #tpu.memory_space<vmem>> -> memref<128xi32, #tpu.memory_space<vmem>>
        %dma_wait3A_389 = arith.constant 0 : i32
        %dma_wait3A_390 = arith.constant 0 : i32
        %dma_wait3A_391 = tpu.memref_slice %arg2[%dma_wait3A_389, %dma_wait3A_390] : memref<100000x128xf32, #tpu.memory_space<hbm>> -> memref<100000x128xf32, #tpu.memory_space<hbm>>
        tpu.wait_indirect_dma semaphore(%arg14 : memref<!tpu.dma_semaphore, #tpu.memory_space<semaphore_mem>>) src(%dma_wait3A_391 : memref<100000x128xf32, #tpu.memory_space<hbm>>) dst(%arg7 : memref<128x128xf32, #tpu.memory_space<vmem>>)
        %dma_start3A_392 = arith.constant 0 : i32
        %dma_start3A_393 = tpu.memref_slice %arg4[%add3A_302, %mul3A_2, %dma_start3A_392] : memref<50x4096x128xf32, #tpu.memory_space<hbm>> -> memref<1x128x128xf32, #tpu.memory_space<hbm>>
        %dma_start3A_394 = tpu.memref_squeeze %dma_start3A_393 : memref<1x128x128xf32, #tpu.memory_space<hbm>> -> memref<128x128xf32, #tpu.memory_space<hbm>>
        %dma_start3A_395 = arith.constant 0 : i32
        %dma_start3A_396 = tpu.memref_slice %arg4[%add3A_302, %mul3A_2, %dma_start3A_395] : memref<50x4096x128xf32, #tpu.memory_space<hbm>> -> memref<1x128x128xf32, #tpu.memory_space<hbm>>
        %dma_start3A_397 = tpu.memref_squeeze %dma_start3A_396 : memref<1x128x128xf32, #tpu.memory_space<hbm>> -> memref<128x128xf32, #tpu.memory_space<hbm>>
        tpu.enqueue_dma source(%arg7 : memref<128x128xf32, #tpu.memory_space<vmem>>) target(%dma_start3A_397 : memref<128x128xf32, #tpu.memory_space<hbm>>) target_semaphore(%arg21 : memref<!tpu.dma_semaphore, #tpu.memory_space<semaphore_mem>>)
      } else {
      }
      %add3A_315 = arith.constant 2 : i32
      %add3A_316 = arith.addi %add3A_289, %add3A_315 : i32
      %add3A_317 = arith.constant 6 : i32
      %add3A_318 = arith.addi %add3A_316, %add3A_317 : i32
      %lt3A_319 = arith.constant 50 : i32
      %lt3A_320 = arith.cmpi slt, %add3A_318, %lt3A_319 : i32
      %convert_element_type3A_321 = arith.extui %lt3A_320 : i1 to i32
      %cond3A_322 = arith.constant 0 : i32
      %cond3A_323 = arith.cmpi ne, %convert_element_type3A_321, %cond3A_322 : i32
      scf.if %cond3A_323 {
        %dma_wait3A_385 = arith.constant 0 : i32
        %dma_wait3A_386 = arith.constant 0 : i32
        %dma_wait3A_387 = tpu.memref_slice %arg4[%dma_wait3A_385, %mul3A_2, %dma_wait3A_386] : memref<50x4096x128xf32, #tpu.memory_space<hbm>> -> memref<1x128x128xf32, #tpu.memory_space<hbm>>
        %dma_wait3A_388 = tpu.memref_squeeze %dma_wait3A_387 : memref<1x128x128xf32, #tpu.memory_space<hbm>> -> memref<128x128xf32, #tpu.memory_space<hbm>>
        %dma_wait3A_389 = arith.constant 0 : i32
        %dma_wait3A_390 = tpu.memref_slice %arg4[%dma_wait3A_385, %mul3A_2, %dma_wait3A_389] : memref<50x4096x128xf32, #tpu.memory_space<hbm>> -> memref<1x128x128xf32, #tpu.memory_space<hbm>>
        %dma_wait3A_391 = tpu.memref_squeeze %dma_wait3A_390 : memref<1x128x128xf32, #tpu.memory_space<hbm>> -> memref<128x128xf32, #tpu.memory_space<hbm>>
        tpu.wait_dma2 semaphore(%arg21 : memref<!tpu.dma_semaphore, #tpu.memory_space<semaphore_mem>>) src(%arg7 : memref<128x128xf32, #tpu.memory_space<vmem>>) dst(%dma_wait3A_391 : memref<128x128xf32, #tpu.memory_space<hbm>>)
        %dma_start3A_392 = arith.constant 0 : i32
        %dma_start3A_393 = tpu.memref_slice %arg5[%add3A_318, %dma_start3A_392] : memref<50x128xi32, #tpu.memory_space<vmem>> -> memref<1x128xi32, #tpu.memory_space<vmem>>
        %dma_start3A_394 = tpu.memref_squeeze %dma_start3A_393 : memref<1x128xi32, #tpu.memory_space<vmem>> -> memref<128xi32, #tpu.memory_space<vmem>>
        %dma_start3A_395 = arith.constant 0 : i32
        %dma_start3A_396 = arith.constant 0 : i32
        %dma_start3A_397 = tpu.memref_slice %arg2[%dma_start3A_395, %dma_start3A_396] : memref<100000x128xf32, #tpu.memory_space<hbm>> -> memref<100000x128xf32, #tpu.memory_space<hbm>>
        tpu.enqueue_indirect_dma source(%dma_start3A_397 : memref<100000x128xf32, #tpu.memory_space<hbm>>) target(%arg7 : memref<128x128xf32, #tpu.memory_space<vmem>>) offsets(%dma_start3A_394 : memref<128xi32, #tpu.memory_space<vmem>>) semaphore(%arg14 : memref<!tpu.dma_semaphore, #tpu.memory_space<semaphore_mem>>)
      } else {
      }
      %lt3A_324 = arith.constant 50 : i32
      %lt3A_325 = arith.cmpi slt, %add3A_316, %lt3A_324 : i32
      %convert_element_type3A_326 = arith.extui %lt3A_325 : i1 to i32
      %cond3A_327 = arith.constant 0 : i32
      %cond3A_328 = arith.cmpi ne, %convert_element_type3A_326, %cond3A_327 : i32
      scf.if %cond3A_328 {
        %dma_wait3A_385 = arith.constant 0 : i32
        %dma_wait3A_386 = arith.constant 0 : i32
        %dma_wait3A_387 = tpu.memref_slice %arg5[%dma_wait3A_385, %dma_wait3A_386] : memref<50x128xi32, #tpu.memory_space<vmem>> -> memref<1x128xi32, #tpu.memory_space<vmem>>
        %dma_wait3A_388 = tpu.memref_squeeze %dma_wait3A_387 : memref<1x128xi32, #tpu.memory_space<vmem>> -> memref<128xi32, #tpu.memory_space<vmem>>
        %dma_wait3A_389 = arith.constant 0 : i32
        %dma_wait3A_390 = arith.constant 0 : i32
        %dma_wait3A_391 = tpu.memref_slice %arg2[%dma_wait3A_389, %dma_wait3A_390] : memref<100000x128xf32, #tpu.memory_space<hbm>> -> memref<100000x128xf32, #tpu.memory_space<hbm>>
        tpu.wait_indirect_dma semaphore(%arg15 : memref<!tpu.dma_semaphore, #tpu.memory_space<semaphore_mem>>) src(%dma_wait3A_391 : memref<100000x128xf32, #tpu.memory_space<hbm>>) dst(%arg8 : memref<128x128xf32, #tpu.memory_space<vmem>>)
        %dma_start3A_392 = arith.constant 0 : i32
        %dma_start3A_393 = tpu.memref_slice %arg4[%add3A_316, %mul3A_2, %dma_start3A_392] : memref<50x4096x128xf32, #tpu.memory_space<hbm>> -> memref<1x128x128xf32, #tpu.memory_space<hbm>>
        %dma_start3A_394 = tpu.memref_squeeze %dma_start3A_393 : memref<1x128x128xf32, #tpu.memory_space<hbm>> -> memref<128x128xf32, #tpu.memory_space<hbm>>
        %dma_start3A_395 = arith.constant 0 : i32
        %dma_start3A_396 = tpu.memref_slice %arg4[%add3A_316, %mul3A_2, %dma_start3A_395] : memref<50x4096x128xf32, #tpu.memory_space<hbm>> -> memref<1x128x128xf32, #tpu.memory_space<hbm>>
        %dma_start3A_397 = tpu.memref_squeeze %dma_start3A_396 : memref<1x128x128xf32, #tpu.memory_space<hbm>> -> memref<128x128xf32, #tpu.memory_space<hbm>>
        tpu.enqueue_dma source(%arg8 : memref<128x128xf32, #tpu.memory_space<vmem>>) target(%dma_start3A_397 : memref<128x128xf32, #tpu.memory_space<hbm>>) target_semaphore(%arg22 : memref<!tpu.dma_semaphore, #tpu.memory_space<semaphore_mem>>)
      } else {
      }
      %add3A_329 = arith.constant 3 : i32
      %add3A_330 = arith.addi %add3A_289, %add3A_329 : i32
      %add3A_331 = arith.constant 6 : i32
      %add3A_332 = arith.addi %add3A_330, %add3A_331 : i32
      %lt3A_333 = arith.constant 50 : i32
      %lt3A_334 = arith.cmpi slt, %add3A_332, %lt3A_333 : i32
      %convert_element_type3A_335 = arith.extui %lt3A_334 : i1 to i32
      %cond3A_336 = arith.constant 0 : i32
      %cond3A_337 = arith.cmpi ne, %convert_element_type3A_335, %cond3A_336 : i32
      scf.if %cond3A_337 {
        %dma_wait3A_385 = arith.constant 0 : i32
        %dma_wait3A_386 = arith.constant 0 : i32
        %dma_wait3A_387 = tpu.memref_slice %arg4[%dma_wait3A_385, %mul3A_2, %dma_wait3A_386] : memref<50x4096x128xf32, #tpu.memory_space<hbm>> -> memref<1x128x128xf32, #tpu.memory_space<hbm>>
        %dma_wait3A_388 = tpu.memref_squeeze %dma_wait3A_387 : memref<1x128x128xf32, #tpu.memory_space<hbm>> -> memref<128x128xf32, #tpu.memory_space<hbm>>
        %dma_wait3A_389 = arith.constant 0 : i32
        %dma_wait3A_390 = tpu.memref_slice %arg4[%dma_wait3A_385, %mul3A_2, %dma_wait3A_389] : memref<50x4096x128xf32, #tpu.memory_space<hbm>> -> memref<1x128x128xf32, #tpu.memory_space<hbm>>
        %dma_wait3A_391 = tpu.memref_squeeze %dma_wait3A_390 : memref<1x128x128xf32, #tpu.memory_space<hbm>> -> memref<128x128xf32, #tpu.memory_space<hbm>>
        tpu.wait_dma2 semaphore(%arg22 : memref<!tpu.dma_semaphore, #tpu.memory_space<semaphore_mem>>) src(%arg8 : memref<128x128xf32, #tpu.memory_space<vmem>>) dst(%dma_wait3A_391 : memref<128x128xf32, #tpu.memory_space<hbm>>)
        %dma_start3A_392 = arith.constant 0 : i32
        %dma_start3A_393 = tpu.memref_slice %arg5[%add3A_332, %dma_start3A_392] : memref<50x128xi32, #tpu.memory_space<vmem>> -> memref<1x128xi32, #tpu.memory_space<vmem>>
        %dma_start3A_394 = tpu.memref_squeeze %dma_start3A_393 : memref<1x128xi32, #tpu.memory_space<vmem>> -> memref<128xi32, #tpu.memory_space<vmem>>
        %dma_start3A_395 = arith.constant 0 : i32
        %dma_start3A_396 = arith.constant 0 : i32
        %dma_start3A_397 = tpu.memref_slice %arg2[%dma_start3A_395, %dma_start3A_396] : memref<100000x128xf32, #tpu.memory_space<hbm>> -> memref<100000x128xf32, #tpu.memory_space<hbm>>
        tpu.enqueue_indirect_dma source(%dma_start3A_397 : memref<100000x128xf32, #tpu.memory_space<hbm>>) target(%arg8 : memref<128x128xf32, #tpu.memory_space<vmem>>) offsets(%dma_start3A_394 : memref<128xi32, #tpu.memory_space<vmem>>) semaphore(%arg15 : memref<!tpu.dma_semaphore, #tpu.memory_space<semaphore_mem>>)
      } else {
      }
      %lt3A_338 = arith.constant 50 : i32
      %lt3A_339 = arith.cmpi slt, %add3A_330, %lt3A_338 : i32
      %convert_element_type3A_340 = arith.extui %lt3A_339 : i1 to i32
      %cond3A_341 = arith.constant 0 : i32
      %cond3A_342 = arith.cmpi ne, %convert_element_type3A_340, %cond3A_341 : i32
      scf.if %cond3A_342 {
        %dma_wait3A_385 = arith.constant 0 : i32
        %dma_wait3A_386 = arith.constant 0 : i32
        %dma_wait3A_387 = tpu.memref_slice %arg5[%dma_wait3A_385, %dma_wait3A_386] : memref<50x128xi32, #tpu.memory_space<vmem>> -> memref<1x128xi32, #tpu.memory_space<vmem>>
        %dma_wait3A_388 = tpu.memref_squeeze %dma_wait3A_387 : memref<1x128xi32, #tpu.memory_space<vmem>> -> memref<128xi32, #tpu.memory_space<vmem>>
        %dma_wait3A_389 = arith.constant 0 : i32
        %dma_wait3A_390 = arith.constant 0 : i32
        %dma_wait3A_391 = tpu.memref_slice %arg2[%dma_wait3A_389, %dma_wait3A_390] : memref<100000x128xf32, #tpu.memory_space<hbm>> -> memref<100000x128xf32, #tpu.memory_space<hbm>>
        tpu.wait_indirect_dma semaphore(%arg16 : memref<!tpu.dma_semaphore, #tpu.memory_space<semaphore_mem>>) src(%dma_wait3A_391 : memref<100000x128xf32, #tpu.memory_space<hbm>>) dst(%arg9 : memref<128x128xf32, #tpu.memory_space<vmem>>)
        %dma_start3A_392 = arith.constant 0 : i32
        %dma_start3A_393 = tpu.memref_slice %arg4[%add3A_330, %mul3A_2, %dma_start3A_392] : memref<50x4096x128xf32, #tpu.memory_space<hbm>> -> memref<1x128x128xf32, #tpu.memory_space<hbm>>
        %dma_start3A_394 = tpu.memref_squeeze %dma_start3A_393 : memref<1x128x128xf32, #tpu.memory_space<hbm>> -> memref<128x128xf32, #tpu.memory_space<hbm>>
        %dma_start3A_395 = arith.constant 0 : i32
        %dma_start3A_396 = tpu.memref_slice %arg4[%add3A_330, %mul3A_2, %dma_start3A_395] : memref<50x4096x128xf32, #tpu.memory_space<hbm>> -> memref<1x128x128xf32, #tpu.memory_space<hbm>>
        %dma_start3A_397 = tpu.memref_squeeze %dma_start3A_396 : memref<1x128x128xf32, #tpu.memory_space<hbm>> -> memref<128x128xf32, #tpu.memory_space<hbm>>
        tpu.enqueue_dma source(%arg9 : memref<128x128xf32, #tpu.memory_space<vmem>>) target(%dma_start3A_397 : memref<128x128xf32, #tpu.memory_space<hbm>>) target_semaphore(%arg23 : memref<!tpu.dma_semaphore, #tpu.memory_space<semaphore_mem>>)
      } else {
      }
      %add3A_343 = arith.constant 4 : i32
      %add3A_344 = arith.addi %add3A_289, %add3A_343 : i32
      %add3A_345 = arith.constant 6 : i32
      %add3A_346 = arith.addi %add3A_344, %add3A_345 : i32
      %lt3A_347 = arith.constant 50 : i32
      %lt3A_348 = arith.cmpi slt, %add3A_346, %lt3A_347 : i32
      %convert_element_type3A_349 = arith.extui %lt3A_348 : i1 to i32
      %cond3A_350 = arith.constant 0 : i32
      %cond3A_351 = arith.cmpi ne, %convert_element_type3A_349, %cond3A_350 : i32
      scf.if %cond3A_351 {
        %dma_wait3A_385 = arith.constant 0 : i32
        %dma_wait3A_386 = arith.constant 0 : i32
        %dma_wait3A_387 = tpu.memref_slice %arg4[%dma_wait3A_385, %mul3A_2, %dma_wait3A_386] : memref<50x4096x128xf32, #tpu.memory_space<hbm>> -> memref<1x128x128xf32, #tpu.memory_space<hbm>>
        %dma_wait3A_388 = tpu.memref_squeeze %dma_wait3A_387 : memref<1x128x128xf32, #tpu.memory_space<hbm>> -> memref<128x128xf32, #tpu.memory_space<hbm>>
        %dma_wait3A_389 = arith.constant 0 : i32
        %dma_wait3A_390 = tpu.memref_slice %arg4[%dma_wait3A_385, %mul3A_2, %dma_wait3A_389] : memref<50x4096x128xf32, #tpu.memory_space<hbm>> -> memref<1x128x128xf32, #tpu.memory_space<hbm>>
        %dma_wait3A_391 = tpu.memref_squeeze %dma_wait3A_390 : memref<1x128x128xf32, #tpu.memory_space<hbm>> -> memref<128x128xf32, #tpu.memory_space<hbm>>
        tpu.wait_dma2 semaphore(%arg23 : memref<!tpu.dma_semaphore, #tpu.memory_space<semaphore_mem>>) src(%arg9 : memref<128x128xf32, #tpu.memory_space<vmem>>) dst(%dma_wait3A_391 : memref<128x128xf32, #tpu.memory_space<hbm>>)
        %dma_start3A_392 = arith.constant 0 : i32
        %dma_start3A_393 = tpu.memref_slice %arg5[%add3A_346, %dma_start3A_392] : memref<50x128xi32, #tpu.memory_space<vmem>> -> memref<1x128xi32, #tpu.memory_space<vmem>>
        %dma_start3A_394 = tpu.memref_squeeze %dma_start3A_393 : memref<1x128xi32, #tpu.memory_space<vmem>> -> memref<128xi32, #tpu.memory_space<vmem>>
        %dma_start3A_395 = arith.constant 0 : i32
        %dma_start3A_396 = arith.constant 0 : i32
        %dma_start3A_397 = tpu.memref_slice %arg2[%dma_start3A_395, %dma_start3A_396] : memref<100000x128xf32, #tpu.memory_space<hbm>> -> memref<100000x128xf32, #tpu.memory_space<hbm>>
        tpu.enqueue_indirect_dma source(%dma_start3A_397 : memref<100000x128xf32, #tpu.memory_space<hbm>>) target(%arg9 : memref<128x128xf32, #tpu.memory_space<vmem>>) offsets(%dma_start3A_394 : memref<128xi32, #tpu.memory_space<vmem>>) semaphore(%arg16 : memref<!tpu.dma_semaphore, #tpu.memory_space<semaphore_mem>>)
      } else {
      }
      %lt3A_352 = arith.constant 50 : i32
      %lt3A_353 = arith.cmpi slt, %add3A_344, %lt3A_352 : i32
      %convert_element_type3A_354 = arith.extui %lt3A_353 : i1 to i32
      %cond3A_355 = arith.constant 0 : i32
      %cond3A_356 = arith.cmpi ne, %convert_element_type3A_354, %cond3A_355 : i32
      scf.if %cond3A_356 {
        %dma_wait3A_385 = arith.constant 0 : i32
        %dma_wait3A_386 = arith.constant 0 : i32
        %dma_wait3A_387 = tpu.memref_slice %arg5[%dma_wait3A_385, %dma_wait3A_386] : memref<50x128xi32, #tpu.memory_space<vmem>> -> memref<1x128xi32, #tpu.memory_space<vmem>>
        %dma_wait3A_388 = tpu.memref_squeeze %dma_wait3A_387 : memref<1x128xi32, #tpu.memory_space<vmem>> -> memref<128xi32, #tpu.memory_space<vmem>>
        %dma_wait3A_389 = arith.constant 0 : i32
        %dma_wait3A_390 = arith.constant 0 : i32
        %dma_wait3A_391 = tpu.memref_slice %arg2[%dma_wait3A_389, %dma_wait3A_390] : memref<100000x128xf32, #tpu.memory_space<hbm>> -> memref<100000x128xf32, #tpu.memory_space<hbm>>
        tpu.wait_indirect_dma semaphore(%arg17 : memref<!tpu.dma_semaphore, #tpu.memory_space<semaphore_mem>>) src(%dma_wait3A_391 : memref<100000x128xf32, #tpu.memory_space<hbm>>) dst(%arg10 : memref<128x128xf32, #tpu.memory_space<vmem>>)
        %dma_start3A_392 = arith.constant 0 : i32
        %dma_start3A_393 = tpu.memref_slice %arg4[%add3A_344, %mul3A_2, %dma_start3A_392] : memref<50x4096x128xf32, #tpu.memory_space<hbm>> -> memref<1x128x128xf32, #tpu.memory_space<hbm>>
        %dma_start3A_394 = tpu.memref_squeeze %dma_start3A_393 : memref<1x128x128xf32, #tpu.memory_space<hbm>> -> memref<128x128xf32, #tpu.memory_space<hbm>>
        %dma_start3A_395 = arith.constant 0 : i32
        %dma_start3A_396 = tpu.memref_slice %arg4[%add3A_344, %mul3A_2, %dma_start3A_395] : memref<50x4096x128xf32, #tpu.memory_space<hbm>> -> memref<1x128x128xf32, #tpu.memory_space<hbm>>
        %dma_start3A_397 = tpu.memref_squeeze %dma_start3A_396 : memref<1x128x128xf32, #tpu.memory_space<hbm>> -> memref<128x128xf32, #tpu.memory_space<hbm>>
        tpu.enqueue_dma source(%arg10 : memref<128x128xf32, #tpu.memory_space<vmem>>) target(%dma_start3A_397 : memref<128x128xf32, #tpu.memory_space<hbm>>) target_semaphore(%arg24 : memref<!tpu.dma_semaphore, #tpu.memory_space<semaphore_mem>>)
      } else {
      }
      %add3A_357 = arith.constant 5 : i32
      %add3A_358 = arith.addi %add3A_289, %add3A_357 : i32
      %add3A_359 = arith.constant 6 : i32
      %add3A_360 = arith.addi %add3A_358, %add3A_359 : i32
      %lt3A_361 = arith.constant 50 : i32
      %lt3A_362 = arith.cmpi slt, %add3A_360, %lt3A_361 : i32
      %convert_element_type3A_363 = arith.extui %lt3A_362 : i1 to i32
      %cond3A_364 = arith.constant 0 : i32
      %cond3A_365 = arith.cmpi ne, %convert_element_type3A_363, %cond3A_364 : i32
      scf.if %cond3A_365 {
        %dma_wait3A_385 = arith.constant 0 : i32
        %dma_wait3A_386 = arith.constant 0 : i32
        %dma_wait3A_387 = tpu.memref_slice %arg4[%dma_wait3A_385, %mul3A_2, %dma_wait3A_386] : memref<50x4096x128xf32, #tpu.memory_space<hbm>> -> memref<1x128x128xf32, #tpu.memory_space<hbm>>
        %dma_wait3A_388 = tpu.memref_squeeze %dma_wait3A_387 : memref<1x128x128xf32, #tpu.memory_space<hbm>> -> memref<128x128xf32, #tpu.memory_space<hbm>>
        %dma_wait3A_389 = arith.constant 0 : i32
        %dma_wait3A_390 = tpu.memref_slice %arg4[%dma_wait3A_385, %mul3A_2, %dma_wait3A_389] : memref<50x4096x128xf32, #tpu.memory_space<hbm>> -> memref<1x128x128xf32, #tpu.memory_space<hbm>>
        %dma_wait3A_391 = tpu.memref_squeeze %dma_wait3A_390 : memref<1x128x128xf32, #tpu.memory_space<hbm>> -> memref<128x128xf32, #tpu.memory_space<hbm>>
        tpu.wait_dma2 semaphore(%arg24 : memref<!tpu.dma_semaphore, #tpu.memory_space<semaphore_mem>>) src(%arg10 : memref<128x128xf32, #tpu.memory_space<vmem>>) dst(%dma_wait3A_391 : memref<128x128xf32, #tpu.memory_space<hbm>>)
        %dma_start3A_392 = arith.constant 0 : i32
        %dma_start3A_393 = tpu.memref_slice %arg5[%add3A_360, %dma_start3A_392] : memref<50x128xi32, #tpu.memory_space<vmem>> -> memref<1x128xi32, #tpu.memory_space<vmem>>
        %dma_start3A_394 = tpu.memref_squeeze %dma_start3A_393 : memref<1x128xi32, #tpu.memory_space<vmem>> -> memref<128xi32, #tpu.memory_space<vmem>>
        %dma_start3A_395 = arith.constant 0 : i32
        %dma_start3A_396 = arith.constant 0 : i32
        %dma_start3A_397 = tpu.memref_slice %arg2[%dma_start3A_395, %dma_start3A_396] : memref<100000x128xf32, #tpu.memory_space<hbm>> -> memref<100000x128xf32, #tpu.memory_space<hbm>>
        tpu.enqueue_indirect_dma source(%dma_start3A_397 : memref<100000x128xf32, #tpu.memory_space<hbm>>) target(%arg10 : memref<128x128xf32, #tpu.memory_space<vmem>>) offsets(%dma_start3A_394 : memref<128xi32, #tpu.memory_space<vmem>>) semaphore(%arg17 : memref<!tpu.dma_semaphore, #tpu.memory_space<semaphore_mem>>)
      } else {
      }
      %lt3A_366 = arith.constant 50 : i32
      %lt3A_367 = arith.cmpi slt, %add3A_358, %lt3A_366 : i32
      %convert_element_type3A_368 = arith.extui %lt3A_367 : i1 to i32
      %cond3A_369 = arith.constant 0 : i32
      %cond3A_370 = arith.cmpi ne, %convert_element_type3A_368, %cond3A_369 : i32
      scf.if %cond3A_370 {
        %dma_wait3A_385 = arith.constant 0 : i32
        %dma_wait3A_386 = arith.constant 0 : i32
        %dma_wait3A_387 = tpu.memref_slice %arg5[%dma_wait3A_385, %dma_wait3A_386] : memref<50x128xi32, #tpu.memory_space<vmem>> -> memref<1x128xi32, #tpu.memory_space<vmem>>
        %dma_wait3A_388 = tpu.memref_squeeze %dma_wait3A_387 : memref<1x128xi32, #tpu.memory_space<vmem>> -> memref<128xi32, #tpu.memory_space<vmem>>
        %dma_wait3A_389 = arith.constant 0 : i32
        %dma_wait3A_390 = arith.constant 0 : i32
        %dma_wait3A_391 = tpu.memref_slice %arg2[%dma_wait3A_389, %dma_wait3A_390] : memref<100000x128xf32, #tpu.memory_space<hbm>> -> memref<100000x128xf32, #tpu.memory_space<hbm>>
        tpu.wait_indirect_dma semaphore(%arg18 : memref<!tpu.dma_semaphore, #tpu.memory_space<semaphore_mem>>) src(%dma_wait3A_391 : memref<100000x128xf32, #tpu.memory_space<hbm>>) dst(%arg11 : memref<128x128xf32, #tpu.memory_space<vmem>>)
        %dma_start3A_392 = arith.constant 0 : i32
        %dma_start3A_393 = tpu.memref_slice %arg4[%add3A_358, %mul3A_2, %dma_start3A_392] : memref<50x4096x128xf32, #tpu.memory_space<hbm>> -> memref<1x128x128xf32, #tpu.memory_space<hbm>>
        %dma_start3A_394 = tpu.memref_squeeze %dma_start3A_393 : memref<1x128x128xf32, #tpu.memory_space<hbm>> -> memref<128x128xf32, #tpu.memory_space<hbm>>
        %dma_start3A_395 = arith.constant 0 : i32
        %dma_start3A_396 = tpu.memref_slice %arg4[%add3A_358, %mul3A_2, %dma_start3A_395] : memref<50x4096x128xf32, #tpu.memory_space<hbm>> -> memref<1x128x128xf32, #tpu.memory_space<hbm>>
        %dma_start3A_397 = tpu.memref_squeeze %dma_start3A_396 : memref<1x128x128xf32, #tpu.memory_space<hbm>> -> memref<128x128xf32, #tpu.memory_space<hbm>>
        tpu.enqueue_dma source(%arg11 : memref<128x128xf32, #tpu.memory_space<vmem>>) target(%dma_start3A_397 : memref<128x128xf32, #tpu.memory_space<hbm>>) target_semaphore(%arg25 : memref<!tpu.dma_semaphore, #tpu.memory_space<semaphore_mem>>)
      } else {
      }
      %add3A_371 = arith.constant 6 : i32
      %add3A_372 = arith.addi %add3A_289, %add3A_371 : i32
      %add3A_373 = arith.constant 6 : i32
      %add3A_374 = arith.addi %add3A_372, %add3A_373 : i32
      %lt3A_375 = arith.constant 50 : i32
      %lt3A_376 = arith.cmpi slt, %add3A_374, %lt3A_375 : i32
      %convert_element_type3A_377 = arith.extui %lt3A_376 : i1 to i32
      %cond3A_378 = arith.constant 0 : i32
      %cond3A_379 = arith.cmpi ne, %convert_element_type3A_377, %cond3A_378 : i32
      scf.if %cond3A_379 {
        %dma_wait3A_385 = arith.constant 0 : i32
        %dma_wait3A_386 = arith.constant 0 : i32
        %dma_wait3A_387 = tpu.memref_slice %arg4[%dma_wait3A_385, %mul3A_2, %dma_wait3A_386] : memref<50x4096x128xf32, #tpu.memory_space<hbm>> -> memref<1x128x128xf32, #tpu.memory_space<hbm>>
        %dma_wait3A_388 = tpu.memref_squeeze %dma_wait3A_387 : memref<1x128x128xf32, #tpu.memory_space<hbm>> -> memref<128x128xf32, #tpu.memory_space<hbm>>
        %dma_wait3A_389 = arith.constant 0 : i32
        %dma_wait3A_390 = tpu.memref_slice %arg4[%dma_wait3A_385, %mul3A_2, %dma_wait3A_389] : memref<50x4096x128xf32, #tpu.memory_space<hbm>> -> memref<1x128x128xf32, #tpu.memory_space<hbm>>
        %dma_wait3A_391 = tpu.memref_squeeze %dma_wait3A_390 : memref<1x128x128xf32, #tpu.memory_space<hbm>> -> memref<128x128xf32, #tpu.memory_space<hbm>>
        tpu.wait_dma2 semaphore(%arg25 : memref<!tpu.dma_semaphore, #tpu.memory_space<semaphore_mem>>) src(%arg11 : memref<128x128xf32, #tpu.memory_space<vmem>>) dst(%dma_wait3A_391 : memref<128x128xf32, #tpu.memory_space<hbm>>)
        %dma_start3A_392 = arith.constant 0 : i32
        %dma_start3A_393 = tpu.memref_slice %arg5[%add3A_374, %dma_start3A_392] : memref<50x128xi32, #tpu.memory_space<vmem>> -> memref<1x128xi32, #tpu.memory_space<vmem>>
        %dma_start3A_394 = tpu.memref_squeeze %dma_start3A_393 : memref<1x128xi32, #tpu.memory_space<vmem>> -> memref<128xi32, #tpu.memory_space<vmem>>
        %dma_start3A_395 = arith.constant 0 : i32
        %dma_start3A_396 = arith.constant 0 : i32
        %dma_start3A_397 = tpu.memref_slice %arg2[%dma_start3A_395, %dma_start3A_396] : memref<100000x128xf32, #tpu.memory_space<hbm>> -> memref<100000x128xf32, #tpu.memory_space<hbm>>
        tpu.enqueue_indirect_dma source(%dma_start3A_397 : memref<100000x128xf32, #tpu.memory_space<hbm>>) target(%arg11 : memref<128x128xf32, #tpu.memory_space<vmem>>) offsets(%dma_start3A_394 : memref<128xi32, #tpu.memory_space<vmem>>) semaphore(%arg18 : memref<!tpu.dma_semaphore, #tpu.memory_space<semaphore_mem>>)
      } else {
      }
      %lt3A_380 = arith.constant 50 : i32
      %lt3A_381 = arith.cmpi slt, %add3A_372, %lt3A_380 : i32
      %convert_element_type3A_382 = arith.extui %lt3A_381 : i1 to i32
      %cond3A_383 = arith.constant 0 : i32
      %cond3A_384 = arith.cmpi ne, %convert_element_type3A_382, %cond3A_383 : i32
      scf.if %cond3A_384 {
        %dma_wait3A_385 = arith.constant 0 : i32
        %dma_wait3A_386 = arith.constant 0 : i32
        %dma_wait3A_387 = tpu.memref_slice %arg5[%dma_wait3A_385, %dma_wait3A_386] : memref<50x128xi32, #tpu.memory_space<vmem>> -> memref<1x128xi32, #tpu.memory_space<vmem>>
        %dma_wait3A_388 = tpu.memref_squeeze %dma_wait3A_387 : memref<1x128xi32, #tpu.memory_space<vmem>> -> memref<128xi32, #tpu.memory_space<vmem>>
        %dma_wait3A_389 = arith.constant 0 : i32
        %dma_wait3A_390 = arith.constant 0 : i32
        %dma_wait3A_391 = tpu.memref_slice %arg2[%dma_wait3A_389, %dma_wait3A_390] : memref<100000x128xf32, #tpu.memory_space<hbm>> -> memref<100000x128xf32, #tpu.memory_space<hbm>>
        tpu.wait_indirect_dma semaphore(%arg19 : memref<!tpu.dma_semaphore, #tpu.memory_space<semaphore_mem>>) src(%dma_wait3A_391 : memref<100000x128xf32, #tpu.memory_space<hbm>>) dst(%arg12 : memref<128x128xf32, #tpu.memory_space<vmem>>)
        %dma_start3A_392 = arith.constant 0 : i32
        %dma_start3A_393 = tpu.memref_slice %arg4[%add3A_372, %mul3A_2, %dma_start3A_392] : memref<50x4096x128xf32, #tpu.memory_space<hbm>> -> memref<1x128x128xf32, #tpu.memory_space<hbm>>
        %dma_start3A_394 = tpu.memref_squeeze %dma_start3A_393 : memref<1x128x128xf32, #tpu.memory_space<hbm>> -> memref<128x128xf32, #tpu.memory_space<hbm>>
        %dma_start3A_395 = arith.constant 0 : i32
        %dma_start3A_396 = tpu.memref_slice %arg4[%add3A_372, %mul3A_2, %dma_start3A_395] : memref<50x4096x128xf32, #tpu.memory_space<hbm>> -> memref<1x128x128xf32, #tpu.memory_space<hbm>>
        %dma_start3A_397 = tpu.memref_squeeze %dma_start3A_396 : memref<1x128x128xf32, #tpu.memory_space<hbm>> -> memref<128x128xf32, #tpu.memory_space<hbm>>
        tpu.enqueue_dma source(%arg12 : memref<128x128xf32, #tpu.memory_space<vmem>>) target(%dma_start3A_397 : memref<128x128xf32, #tpu.memory_space<hbm>>) target_semaphore(%arg26 : memref<!tpu.dma_semaphore, #tpu.memory_space<semaphore_mem>>)
      } else {
      }
    }
    %scan3A_235 = arith.constant 7 : i32
    %dma_wait3A_236 = arith.constant 0 : i32
    %dma_wait3A_237 = arith.constant 0 : i32
    %dma_wait3A_238 = tpu.memref_slice %arg4[%dma_wait3A_236, %mul3A_2, %dma_wait3A_237] : memref<50x4096x128xf32, #tpu.memory_space<hbm>> -> memref<1x128x128xf32, #tpu.memory_space<hbm>>
    %dma_wait3A_239 = tpu.memref_squeeze %dma_wait3A_238 : memref<1x128x128xf32, #tpu.memory_space<hbm>> -> memref<128x128xf32, #tpu.memory_space<hbm>>
    %dma_wait3A_240 = arith.constant 0 : i32
    %dma_wait3A_241 = tpu.memref_slice %arg4[%dma_wait3A_236, %mul3A_2, %dma_wait3A_240] : memref<50x4096x128xf32, #tpu.memory_space<hbm>> -> memref<1x128x128xf32, #tpu.memory_space<hbm>>
    %dma_wait3A_242 = tpu.memref_squeeze %dma_wait3A_241 : memref<1x128x128xf32, #tpu.memory_space<hbm>> -> memref<128x128xf32, #tpu.memory_space<hbm>>
    tpu.wait_dma2 semaphore(%arg20 : memref<!tpu.dma_semaphore, #tpu.memory_space<semaphore_mem>>) src(%arg6 : memref<128x128xf32, #tpu.memory_space<vmem>>) dst(%dma_wait3A_242 : memref<128x128xf32, #tpu.memory_space<hbm>>)
    %dma_wait3A_243 = arith.constant 0 : i32
    %dma_wait3A_244 = arith.constant 0 : i32
    %dma_wait3A_245 = tpu.memref_slice %arg4[%dma_wait3A_243, %mul3A_2, %dma_wait3A_244] : memref<50x4096x128xf32, #tpu.memory_space<hbm>> -> memref<1x128x128xf32, #tpu.memory_space<hbm>>
    %dma_wait3A_246 = tpu.memref_squeeze %dma_wait3A_245 : memref<1x128x128xf32, #tpu.memory_space<hbm>> -> memref<128x128xf32, #tpu.memory_space<hbm>>
    %dma_wait3A_247 = arith.constant 0 : i32
    %dma_wait3A_248 = tpu.memref_slice %arg4[%dma_wait3A_243, %mul3A_2, %dma_wait3A_247] : memref<50x4096x128xf32, #tpu.memory_space<hbm>> -> memref<1x128x128xf32, #tpu.memory_space<hbm>>
    %dma_wait3A_249 = tpu.memref_squeeze %dma_wait3A_248 : memref<1x128x128xf32, #tpu.memory_space<hbm>> -> memref<128x128xf32, #tpu.memory_space<hbm>>
    tpu.wait_dma2 semaphore(%arg21 : memref<!tpu.dma_semaphore, #tpu.memory_space<semaphore_mem>>) src(%arg7 : memref<128x128xf32, #tpu.memory_space<vmem>>) dst(%dma_wait3A_249 : memref<128x128xf32, #tpu.memory_space<hbm>>)
    %dma_wait3A_250 = arith.constant 0 : i32
    %dma_wait3A_251 = arith.constant 0 : i32
    %dma_wait3A_252 = tpu.memref_slice %arg4[%dma_wait3A_250, %mul3A_2, %dma_wait3A_251] : memref<50x4096x128xf32, #tpu.memory_space<hbm>> -> memref<1x128x128xf32, #tpu.memory_space<hbm>>
    %dma_wait3A_253 = tpu.memref_squeeze %dma_wait3A_252 : memref<1x128x128xf32, #tpu.memory_space<hbm>> -> memref<128x128xf32, #tpu.memory_space<hbm>>
    %dma_wait3A_254 = arith.constant 0 : i32
    %dma_wait3A_255 = tpu.memref_slice %arg4[%dma_wait3A_250, %mul3A_2, %dma_wait3A_254] : memref<50x4096x128xf32, #tpu.memory_space<hbm>> -> memref<1x128x128xf32, #tpu.memory_space<hbm>>
    %dma_wait3A_256 = tpu.memref_squeeze %dma_wait3A_255 : memref<1x128x128xf32, #tpu.memory_space<hbm>> -> memref<128x128xf32, #tpu.memory_space<hbm>>
    tpu.wait_dma2 semaphore(%arg22 : memref<!tpu.dma_semaphore, #tpu.memory_space<semaphore_mem>>) src(%arg8 : memref<128x128xf32, #tpu.memory_space<vmem>>) dst(%dma_wait3A_256 : memref<128x128xf32, #tpu.memory_space<hbm>>)
    %dma_wait3A_257 = arith.constant 0 : i32
    %dma_wait3A_258 = arith.constant 0 : i32
    %dma_wait3A_259 = tpu.memref_slice %arg4[%dma_wait3A_257, %mul3A_2, %dma_wait3A_258] : memref<50x4096x128xf32, #tpu.memory_space<hbm>> -> memref<1x128x128xf32, #tpu.memory_space<hbm>>
    %dma_wait3A_260 = tpu.memref_squeeze %dma_wait3A_259 : memref<1x128x128xf32, #tpu.memory_space<hbm>> -> memref<128x128xf32, #tpu.memory_space<hbm>>
    %dma_wait3A_261 = arith.constant 0 : i32
    %dma_wait3A_262 = tpu.memref_slice %arg4[%dma_wait3A_257, %mul3A_2, %dma_wait3A_261] : memref<50x4096x128xf32, #tpu.memory_space<hbm>> -> memref<1x128x128xf32, #tpu.memory_space<hbm>>
    %dma_wait3A_263 = tpu.memref_squeeze %dma_wait3A_262 : memref<1x128x128xf32, #tpu.memory_space<hbm>> -> memref<128x128xf32, #tpu.memory_space<hbm>>
    tpu.wait_dma2 semaphore(%arg23 : memref<!tpu.dma_semaphore, #tpu.memory_space<semaphore_mem>>) src(%arg9 : memref<128x128xf32, #tpu.memory_space<vmem>>) dst(%dma_wait3A_263 : memref<128x128xf32, #tpu.memory_space<hbm>>)
    %dma_wait3A_264 = arith.constant 0 : i32
    %dma_wait3A_265 = arith.constant 0 : i32
    %dma_wait3A_266 = tpu.memref_slice %arg4[%dma_wait3A_264, %mul3A_2, %dma_wait3A_265] : memref<50x4096x128xf32, #tpu.memory_space<hbm>> -> memref<1x128x128xf32, #tpu.memory_space<hbm>>
    %dma_wait3A_267 = tpu.memref_squeeze %dma_wait3A_266 : memref<1x128x128xf32, #tpu.memory_space<hbm>> -> memref<128x128xf32, #tpu.memory_space<hbm>>
    %dma_wait3A_268 = arith.constant 0 : i32
    %dma_wait3A_269 = tpu.memref_slice %arg4[%dma_wait3A_264, %mul3A_2, %dma_wait3A_268] : memref<50x4096x128xf32, #tpu.memory_space<hbm>> -> memref<1x128x128xf32, #tpu.memory_space<hbm>>
    %dma_wait3A_270 = tpu.memref_squeeze %dma_wait3A_269 : memref<1x128x128xf32, #tpu.memory_space<hbm>> -> memref<128x128xf32, #tpu.memory_space<hbm>>
    tpu.wait_dma2 semaphore(%arg24 : memref<!tpu.dma_semaphore, #tpu.memory_space<semaphore_mem>>) src(%arg10 : memref<128x128xf32, #tpu.memory_space<vmem>>) dst(%dma_wait3A_270 : memref<128x128xf32, #tpu.memory_space<hbm>>)
    %dma_wait3A_271 = arith.constant 0 : i32
    %dma_wait3A_272 = arith.constant 0 : i32
    %dma_wait3A_273 = tpu.memref_slice %arg4[%dma_wait3A_271, %mul3A_2, %dma_wait3A_272] : memref<50x4096x128xf32, #tpu.memory_space<hbm>> -> memref<1x128x128xf32, #tpu.memory_space<hbm>>
    %dma_wait3A_274 = tpu.memref_squeeze %dma_wait3A_273 : memref<1x128x128xf32, #tpu.memory_space<hbm>> -> memref<128x128xf32, #tpu.memory_space<hbm>>
    %dma_wait3A_275 = arith.constant 0 : i32
    %dma_wait3A_276 = tpu.memref_slice %arg4[%dma_wait3A_271, %mul3A_2, %dma_wait3A_275] : memref<50x4096x128xf32, #tpu.memory_space<hbm>> -> memref<1x128x128xf32, #tpu.memory_space<hbm>>
    %dma_wait3A_277 = tpu.memref_squeeze %dma_wait3A_276 : memref<1x128x128xf32, #tpu.memory_space<hbm>> -> memref<128x128xf32, #tpu.memory_space<hbm>>
    tpu.wait_dma2 semaphore(%arg25 : memref<!tpu.dma_semaphore, #tpu.memory_space<semaphore_mem>>) src(%arg11 : memref<128x128xf32, #tpu.memory_space<vmem>>) dst(%dma_wait3A_277 : memref<128x128xf32, #tpu.memory_space<hbm>>)
    %dma_wait3A_278 = arith.constant 0 : i32
    %dma_wait3A_279 = arith.constant 0 : i32
    %dma_wait3A_280 = tpu.memref_slice %arg4[%dma_wait3A_278, %mul3A_2, %dma_wait3A_279] : memref<50x4096x128xf32, #tpu.memory_space<hbm>> -> memref<1x128x128xf32, #tpu.memory_space<hbm>>
    %dma_wait3A_281 = tpu.memref_squeeze %dma_wait3A_280 : memref<1x128x128xf32, #tpu.memory_space<hbm>> -> memref<128x128xf32, #tpu.memory_space<hbm>>
    %dma_wait3A_282 = arith.constant 0 : i32
    %dma_wait3A_283 = tpu.memref_slice %arg4[%dma_wait3A_278, %mul3A_2, %dma_wait3A_282] : memref<50x4096x128xf32, #tpu.memory_space<hbm>> -> memref<1x128x128xf32, #tpu.memory_space<hbm>>
    %dma_wait3A_284 = tpu.memref_squeeze %dma_wait3A_283 : memref<1x128x128xf32, #tpu.memory_space<hbm>> -> memref<128x128xf32, #tpu.memory_space<hbm>>
    tpu.wait_dma2 semaphore(%arg26 : memref<!tpu.dma_semaphore, #tpu.memory_space<semaphore_mem>>) src(%arg12 : memref<128x128xf32, #tpu.memory_space<vmem>>) dst(%dma_wait3A_284 : memref<128x128xf32, #tpu.memory_space<hbm>>)
    return
  }
}

</mosaic_0001>

<sc_bundles>
// kernel: kernel.3.cloned.1.call-start
scs
__scs_entry_jumppad:
0x0: {  	(pc) =	sbr.rel $0x88, $3  }
0x1: {  	(tag) =	ssettag $0x0;
	lr =	simm.s32 $0x1  }
0x2: {  	[smem:$0x3F9F] =	sst lr;
	_ =	strace $0xD0000000  }
0x3: {  	_ = 	snop  }
0x4: {  	_ = 	snop  }
0x5: {  	_ = 	snop  }
0x6: {  	_ = 	snop  }
0x7: {  	_ = 	snop  }
__scs_overlays_trampoline_lowered:
0x8: {  	[smem:$0x3FAE] =	sst s0  }
0x9: {  	[smem:$0x3FAF] =	sst s1  }
0xa: {  	[smem:$0x3FB0] =	sst s2  }
0xb: {  	[smem:$0x3FB1] =	sst s3  }
0xc: {  	[smem:$0x3FB2] =	sst s4  }
0xd: {  	[smem:$0x3FB3] =	sst s5  }
0xe: {  	[smem:$0x3FB4] =	sst s6  }
0xf: {  	[smem:$0x3FB5] =	sst s7  }
0x10: {  	[smem:$0x3FB6] =	sst s8  }
0x11: {  	[smem:$0x3FB7] =	sst s9;
	s0 =	simm.s32 @!p0 $0x0  }
0x12: {  	s1 =	sld [smem:$0x3F9D];
	s0 =	simm.s32 @p0 $0x1  }
0x13: {  	[smem:$0x3FB8] =	sst s0;
	s0 =	simm.s32 @!p1 $0x0  }
0x14: {  	s2 =	sld [smem:$0x3F9C];
	s0 =	simm.s32 @p1 $0x1  }
0x15: {  	[smem:$0x3FB9] =	sst s0;
	s0 =	simm.s32 @!p2 $0x0  }
0x16: {  	s3 =	sld [smem:$0x3FDB];
	s0 =	simm.s32 @p2 $0x1  }
0x17: {  	s4 =	simm.s32 $0x1BF5;
	[smem:$0x3FBB] =	sst s0  }
0x18: {  	s0 =	sld [smem:$0x3F9E];
	_ =	swait.ge [sflag:s4], $0x0  }
0x19: {  	s7 =	sld [smem:$0x3F9F]  }
0x1a: {  	s8 =	sadd.s32 $0xFFFFE003, lr  }
0x1b: {  	s9 =	sadd.s32 $0xFFFFFEF7, lr;
	s5 =	simm.s32 $0xFFFFFFFF;
	p2 =	slt.u32 s8, $0xFFFFF086  }
0x1c: {  	p1 =	slt.u32 s9, $0xF7A;
	s5 =	simm.s32 @!p2 $0x0  }
0x1d: {  	s5 =	simm.s32 @p1 $0x1;
	p0 =	seq.s32 s7, s2  }
0x1e: {  	s7 =	smul.u32 @!p0 $0xF7A, s2;
	p2 =	seq.s32 @!p0 s5, $0x0  }
0x1f: {  	s9 =	smul.u32 $0xF7A, s1;
	s8 =	simm.s32 @!p0 $0x1BF5;
	p2 =	por !p2, p0  }
0x20: {  	[sflag:s8] =	ssyncset.s32 @!p0 $0xFFFFF086;
	s6 =	sadd.s32 @!p0 s3, s7;
	s7 =	simm.s32 @!p0 $0x108  }
0x21: {  	s3 =	sadd.s32 s3, s9;
	s6 =	sadd.s32 @!p0 $0x88, s6;
	s7 =	simm.s32 @p2 $0x1082  }
0x22: {  	[simem:s7], [sflag:s8] =	dma.local @!p0 [hbm:s6], $0xF7A  }
0x23: {  	s9 =	sor.u32 $0xD0000000, s2;
	s6 =	simm.s32 $0x108;
	_ =	swait.ge @!p0 [sflag:s8], $0x0  }
0x24: {  	s3 =	sadd.s32 $0x88, s3;
	s6 =	simm.s32 @!p1 $0x1082;
	[sflag:s4] =	ssyncset.s32 $0xFFFFF086  }
0x25: {  	[simem:s6], [sflag:s4] =	dma.local [hbm:s3], $0xF7A  }
0x26: {  	[smem:$0x3F9F] =	sst s1;
	(tag) =	ssettag s2;
	_ =	strace s9  }
0x27: {  	s1 =	sld [smem:$0x3FAF]  }
0x28: {  	s2 =	sld [smem:$0x3FB0]  }
0x29: {  	s4 =	sld [smem:$0x3FB2]  }
0x2a: {  	p0 =	seq.s32 s5, $0x0;
	s5 =	sld [smem:$0x3FB3]  }
0x2b: {  	s6 =	sld [smem:$0x3FB4]  }
0x2c: {  	s7 =	sld [smem:$0x3FB5]  }
0x2d: {  	s3 =	simm.s32 $0x108;
	s8 =	sld [smem:$0x3FB6]  }
0x2e: {  	s3 =	simm.s32 @!p0 $0x1082;
	s9 =	sld [smem:$0x3FB7]  }
0x2f: {  	lr =	sadd.s32 s0, s3;
	s0 =	sld [smem:$0x3FAE]  }
0x30: {  	s3 =	sld [smem:$0x3FB1]  }
0x31: {  	[smem:$0x3FBA] =	sst s10  }
0x32: {  	s10 =	sld [smem:$0x3FB8];
	_ =	sdelay $0x3  }
0x33: {  	p0 =	seq.s32 s10, $0x1;
	s10 =	sld [smem:$0x3FBA];
	_ =	sdelay $0x3  }
0x34: {  	[smem:$0x3FBA] =	sst s10  }
0x35: {  	s10 =	sld [smem:$0x3FB9];
	_ =	sdelay $0x3  }
0x36: {  	p1 =	seq.s32 s10, $0x1;
	s10 =	sld [smem:$0x3FBA];
	_ =	sdelay $0x3  }
0x37: {  	[smem:$0x3FBA] =	sst s10  }
0x38: {  	s10 =	sld [smem:$0x3FBB]  }
0x39: {  	_ = 	snop;
	(pc) =	sbr.ind lr, $3  }
0x3a: {  	_ = 	snop  }
0x3b: {  	_ = 	snop  }
0x3c: {  	p2 =	seq.s32 s10, $0x1;
	s10 =	sld [smem:$0x3FBA]  }
0x3d: {  	_ =	shalt  }
0x3e: {  	_ =	shalt  }
0x3f: {  	_ =	shalt  }
0x40: {  	_ =	shalt  }
0x41: {  	_ =	shalt  }
0x42: {  	_ =	shalt  }
0x43: {  	_ =	shalt  }
0x44: {  	_ =	shalt  }
0x45: {  	_ =	shalt  }
0x46: {  	_ =	shalt  }
0x47: {  	_ =	shalt  }
0x48: {  	_ =	shalt  }
0x49: {  	_ =	shalt  }
0x4a: {  	_ =	shalt  }
0x4b: {  	_ =	shalt  }
0x4c: {  	_ =	shalt  }
0x4d: {  	_ =	shalt  }
0x4e: {  	_ =	shalt  }
0x4f: {  	_ =	shalt  }
0x50: {  	_ =	shalt  }
0x51: {  	_ =	shalt  }
0x52: {  	_ =	shalt  }
0x53: {  	_ =	shalt  }
0x54: {  	_ =	shalt  }
0x55: {  	_ =	shalt  }
0x56: {  	_ =	shalt  }
0x57: {  	_ =	shalt  }
0x58: {  	_ =	shalt  }
0x59: {  	_ =	shalt  }
0x5a: {  	_ =	shalt  }
0x5b: {  	_ =	shalt  }
0x5c: {  	_ =	shalt  }
0x5d: {  	_ =	shalt  }
0x5e: {  	_ =	shalt  }
0x5f: {  	_ =	shalt  }
0x60: {  	_ =	shalt  }
0x61: {  	_ =	shalt  }
0x62: {  	_ =	shalt  }
0x63: {  	_ =	shalt  }
0x64: {  	_ =	shalt  }
0x65: {  	_ =	shalt  }
0x66: {  	_ =	shalt  }
0x67: {  	_ =	shalt  }
0x68: {  	_ =	shalt  }
0x69: {  	_ =	shalt  }
0x6a: {  	_ =	shalt  }
0x6b: {  	_ =	shalt  }
0x6c: {  	_ =	shalt  }
0x6d: {  	_ =	shalt  }
0x6e: {  	_ =	shalt  }
0x6f: {  	_ =	shalt  }
0x70: {  	_ =	shalt  }
0x71: {  	_ =	shalt  }
0x72: {  	_ =	shalt  }
0x73: {  	_ =	shalt  }
0x74: {  	_ =	shalt  }
0x75: {  	_ =	shalt  }
0x76: {  	_ =	shalt  }
0x77: {  	_ =	shalt  }
0x78: {  	_ =	shalt  }
0x79: {  	_ =	shalt  }
0x7a: {  	_ =	shalt  }
0x7b: {  	_ =	shalt  }
0x7c: {  	_ =	shalt  }
0x7d: {  	_ =	shalt  }
0x7e: {  	_ =	shalt  }
0x7f: {  	_ =	shalt  }
0x80: {  	_ =	shalt  }
0x81: {  	_ =	shalt  }
0x82: {  	_ =	shalt  }
0x83: {  	_ =	shalt  }
0x84: {  	_ =	shalt  }
0x85: {  	_ =	shalt  }
0x86: {  	_ =	shalt  }
0x87: {  	_ =	shalt  }
.Lfunc_end0:
.L_simem_size_0:
called_computation_lowered:
.L_overlay_start_0:
0x88: {  	s2 =	sld [smem:$0x3FD9]  }
0x89: {  	s3 =	sld [smem:$0x3FFE];
	_ =	sdelay $0x1  }
0x8a: {  	s1 =	srdreg.scid  }
0x8b: {  	s0 =	sand.u32 $0x1, s1  }
0x8c: {  	s18 =	sshll.u32 s0, $0xA;
	s2 =	sadd.s32 s3, s2  }
0x8d: {  	s2 =	sadd.s32 s2, s18  }
0x8e: {  	[smem:$0x3FC6] =	sst s2  }
0x8f: {  	_ = 	snop  }
0x90: {  	s2 =	sld [smem:$0x3FC9]  }
0x91: {  	s19 =	sld [smem:$0x3FC8]  }
0x92: {  	s4 =	sld [smem:$0x3FD0];
	(tm) =	ssettm $0x1  }
0x93: {  	s5 =	sld [smem:$0x3FFB];
	_ =	sdelay $0x3  }
0x94: {  	_ =	strace s5  }
0x95: {  	s5 =	sld [smem:$0x3FFC];
	_ =	sdelay $0x3  }
0x96: {  	_ =	strace s5  }
0x97: {  	s5 =	sld [smem:$0x3FFD];
	_ =	sdelay $0x3  }
0x98: {  	_ =	strace s5  }
0x99: {  	_ =	strace $0x8FFFFFFF  }
0x9a: {  	s20 =	sld [smem:$0x3FDB];
	_ =	sdelay $0x1  }
0x9b: {  	s6 =	simm.s32 $_scs_section_size  }
0x9c: {  	s7 =	simm.s32 $_size__tile_overlayer_lowered;
	s8 =	simm.s32 $_tile_overlayer_lowered  }
0x9d: {  	s23 =	simm.s32 $0x1BFF;
	s22 =	sshll.u32 s8, $0x1;
	s5 =	sadd.s32 s6, s20  }
0x9e: {  	s9 =	simm.s32 $0x0;
	s21 =	sshll.u32 s7, $0x1;
	s7 =	sadd.s32 s22, s5  }
0x9f: {  	[timem:s9], [sflag:s23] =	dma.local [hbm:s7], s21  }
0xa0: {  	_ =	swait.ge [sflag:s23], s21  }
0xa1: {  	s6 =	ssub.s32 $0x0, s21;
	[sflag:s23] =	ssyncset.done $0x0  }
0xa2: {  	[sflag:s23] =	ssyncadd.s32 s6;
	_ =	sdelay $0x1  }
0xa3: {  	s24 =	simm.s32 $0x1B8B  }
0xa4: {  	_ =	swait.ge [sflag:s24], $0x1  }
0xa5: {  	[sflag:s24] =	ssyncset.done $0x0  }
0xa6: {  	s25 =	simm.s32 $0x1B8E;
	[sflag:s24] =	ssyncadd.s32 $0xFFFFFFFF  }
0xa7: {  	s26 =	simm.s32 $execute0_lowered;
	[smem:$0x3FD2] =	sst s25  }
0xa8: {  	s6 =	sshll.u32 s26, $0x1;
	_ =	strace $0x80000046;
	[dreg:$0x1] =	wrdreg $0xFFFFFFFF  }
0xa9: {  	s28 =	simm.s32 $_size_execute0_lowered;
	s5 =	sadd.s32 s5, s6;
	[dreg:$0x0] =	wrdreg $0x0  }
0xaa: {  	s6 =	sshll.u32 s28, $0x1;
	[dreg:$0x2] =	wrdreg s5  }
0xab: {  	[dreg:$0x3] =	wrdreg s6  }
0xac: {  	[dreg:$0x4] =	wrdreg $0xC0  }
0xad: {  	_ =	task [dreg:s9], $0x5FFFF  }
0xae: {  	[dreg:$0x1] =	wrdreg $0xFFFFFFFF  }
0xaf: {  	[dreg:$0x0] =	wrdreg $0x60  }
0xb0: {  	[dreg:$0x2] =	wrdreg s19  }
0xb1: {  	[dreg:$0x3] =	wrdreg s2  }
0xb2: {  	[dreg:$0x4] =	wrdreg s4  }
0xb3: {  	[dreg:$0x5] =	wrdreg $0x9  }
0xb4: {  	_ =	task.clear_ibuf [dreg:s9], $0x6FFFF;
	_ =	strace $0x90000046  }
0xb5: {  	s29 =	simm.s32 $0x9;
	_ =	strace $0x80000048  }
0xb6: {  	_ =	swait.ge [sflag:s29], $0x1  }
0xb7: {  	[sflag:s29] =	ssyncadd.s32 $0xFFFFFFFF  }
0xb8: {  	_ =	strace $0x90000048  }
0xb9: {  	_ =	sfence  }
0xba: {  	s30 =	sld [smem:$0x0];
	_ =	sdelay $0x2  }
0xbb: {  	s31 =	sshll.u32 s1, $0xD;
	s1 =	sshrl.u32 s1, $0x2  }
0xbc: {  	s3 =	sand.u32 $0x4000, s31;
	s1 =	sadd.s32 s1, s30  }
0xbd: {  	s0 =	sor.u32 s3, s0;
	s1 =	sshll.u32 s1, $0x11  }
0xbe: {  	s0 =	sor.u32 s1, s0  }
0xbf: {  	s0 =	sadd.s32 $0x8F2B, s0  }
0xc0: {  	[sflag:s0] =	ssyncadd.remote.s32 $0x1  }
0xc1: {  	_ =	sfence.sel $0xFFFF  }
0xc2: {  	[dreg:$0x0] =	wrdreg $0xFFFFFFFF;
	(pc) =	sbr.abs _section_cstart, $3  }
0xc3: {  	[dreg:$0x1] =	wrdreg $0xFFFFFFFF  }
0xc4: {  	_ =	task.clear_ibuf [dreg:s9], $0x2FFFF;
	_ =	strace $0x9FFFFFFF  }
0xc5: {  	(tm) =	ssettm $0x7FFFFFFF  }
tec
execute0_lowered:
.L_overlay_start_1:
0x0: {  	(tag) =	ssettag $0x1  }
0x1: {  	s1 =	rddreg [dreg:$0x0]  }
0x2: {  	s0 =	rddreg [dreg:$0x1];
	s2 =	srdreg.scid  }
0x3: {  	s31 =	rddreg [dreg:$0x2];
	s7 =	stileid.u32;
	s2 =	sand.u32 $0x1, s2  }
0x4: {  	s4 =	simm.s32 $0x0;
	s3 =	sshll.u32 s7, $0x8;
	s5 =	sshll.u32 s2, $0x7  }
0x5: {  	[smem:$0x7FF] =	sst s4;
	s6 =	ssub.s32 $0x2, s2;
	s3 =	sor.u32 s5, s3  }
0x6: {  	_ =	strace $0x80000047;
	s12 =	sshrl.u32 s6, $0x1;
	s8 =	sadd.s32 s0, s3  }
0x7: {  	s13 =	sshll.u32 s3, $0x4;
	[dreg:$0x4] =	wrdreg s8;
	s15 =	sadd.s32 $0x6000, s8  }
0x8: {  	s14 =	ssub.s32 s6, s12;
	s16 =	sadd.s32 s31, s13;
	[dreg:$0x5] =	wrdreg s15  }
0x9: {  	s28 =	simm.s32 $0x1C00;
	s22 =	smax.u32 s14, $0x1;
	[dreg:$0x6] =	wrdreg s16  }
0xa: {  	s9 =	simm.s32 $0x9;
	s0 =	sadd.s32 $0x10000, s16;
	[dreg:$0xd] =	wrdreg s22  }
0xb: {  	s11 =	simm.s32 $0xA;
	s17 =	sadd.s32 $0x20000, s16;
	[dreg:$0x7] =	wrdreg s0  }
0xc: {  	s20 =	sshll.u32 s7, $0xF;
	s18 =	sadd.s32 $0x30000, s16;
	[dreg:$0x8] =	wrdreg s17  }
0xd: {  	s2 =	sshll.u32 s2, $0xE;
	s19 =	sadd.s32 $0x40000, s16;
	[dreg:$0x9] =	wrdreg s18  }
0xe: {  	s6 =	simm.s32 $0x8;
	s21 =	sadd.s32 $0x50000, s16;
	[dreg:$0xa] =	wrdreg s19  }
0xf: {  	s12 =	simm.s32 $0xB;
	s5 =	sadd.s32 $0x60000, s16;
	[dreg:$0xb] =	wrdreg s21  }
0x10: {  	s14 =	simm.s32 $0xC;
	[dreg:$0xc] =	wrdreg s5;
	s0 =	sor.u32 s2, s20  }
0x11: {  	s21 =	simm.s32 $0xD;
	s23 =	sor.u32 $0x680000, s0;
	s24 =	sor.u32 $0x580000, s0  }
0x12: {  	s25 =	sor.u32 $0x480000, s0;
	s26 =	sor.u32 $0x600000, s0;
	s29 =	sor.u32 $0x500000, s0  }
0x13: {  	s30 =	sor.u32 $0x400000, s0;
	s0 =	sor.u32 $0x380000, s0;
	s15 =	sshrl.u32 s23, $0x3  }
0x14: {  	s16 =	sshrl.u32 s24, $0x3;
	s17 =	sshrl.u32 s25, $0x3;
	s18 =	sshrl.u32 s26, $0x3  }
0x15: {  	s19 =	sshrl.u32 s29, $0x3;
	s20 =	sshrl.u32 s30, $0x3;
	[dreg:$0xe] =	wrdreg s0  }
0x16: {  	s26 =	simm.s32 $0x80;
	s23 =	simm.s32 $0x1;
	s25 =	simm.s32 $0x0  }
.LBB2_1:
0x17: {  	s0 =	rddreg [dreg:$0x4];
	s2 =	simm.s32 $0x400;
	s3 =	simm.s32 $0x8000  }
0x18: {  	[tilespmem:s4], [sflag:$0xF] =	stream.strided.gather [hbm4b:s0+s2], $0x1800, s3, s2, $0x38;
	[tilespmem:$0x1DC00] =	vst v63  }
0x19: {  	s24 =	rddreg [dreg:$0x5];
	s30 =	simm.s32 $0x1800;
	s5 =	simm.s32 $0xF  }
0x1a: {  	[tilespmem:s30], [sflag:$0xF] =	stream.linear.gather [hbm4b:s24+s4], $0x100, $0x38;
	[tilespmem:$0x1DC00] =	vst v63  }
0x1b: {  	_ =	swait.ge [sflag:s5], $0x1900  }
0x1c: {  	[sflag:s5] =	ssyncset.done $0x0  }
0x1d: {  	[sflag:s5] =	ssyncadd.s32 $0xFFFFE700  }
0x1e: {  	[tilespmem:s28], [sflag:$0x1] =	stream.indirect.gather [hbm4b:s1+s26], $0x80, s4, s26, $0xb8;
	[tilespmem:$0x1DC00] =	vst v63  }
0x1f: {  	s3 =	simm.s32 $0x5C00  }
0x20: {  	[tilespmem:s3], [sflag:$0x2] =	stream.indirect.gather [hbm4b:s1+s26], $0x80, s26, s26, $0xb8;
	[tilespmem:$0x1DC00] =	vst v63  }
0x21: {  	s7 =	simm.s32 $0x100;
	s5 =	simm.s32 $0x9C00  }
0x22: {  	[tilespmem:s5], [sflag:$0x3] =	stream.indirect.gather [hbm4b:s1+s26], $0x80, s7, s26, $0xb8;
	[tilespmem:$0x1DC00] =	vst v63  }
0x23: {  	s8 =	simm.s32 $0x180;
	s7 =	simm.s32 $0xDC00  }
0x24: {  	[tilespmem:s7], [sflag:$0x4] =	stream.indirect.gather [hbm4b:s1+s26], $0x80, s8, s26, $0xb8;
	[tilespmem:$0x1DC00] =	vst v63  }
0x25: {  	s10 =	simm.s32 $0x200;
	s8 =	simm.s32 $0x11C00  }
0x26: {  	[tilespmem:s8], [sflag:$0x5] =	stream.indirect.gather [hbm4b:s1+s26], $0x80, s10, s26, $0xb8;
	[tilespmem:$0x1DC00] =	vst v63  }
0x27: {  	s13 =	simm.s32 $0x280;
	s10 =	simm.s32 $0x15C00  }
0x28: {  	[tilespmem:s10], [sflag:$0x6] =	stream.indirect.gather [hbm4b:s1+s26], $0x80, s13, s26, $0xb8;
	[tilespmem:$0x1DC00] =	vst v63  }
0x29: {  	s22 =	simm.s32 $0x300;
	s13 =	simm.s32 $0x19C00  }
0x2a: {  	[tilespmem:s13], [sflag:$0x7] =	stream.indirect.gather [hbm4b:s1+s26], $0x80, s22, s26, $0xb8;
	[tilespmem:$0x1DC00] =	vst v63  }
0x2b: {  	_ =	swait.ge [sflag:s23], $0x4000  }
0x2c: {  	[sflag:s23] =	ssyncset.done $0x0  }
0x2d: {  	s24 =	rddreg [dreg:$0x6];
	[sflag:s23] =	ssyncadd.s32 $0xFFFFC000  }
0x2e: {  	[hbm4b:s24+s4] =	stream.linear.scatter [tilespmem:s28], [sflag:$0x8], $0x4000, $0x38;
	[tilespmem:$0x1DC00] =	vst v63  }
0x2f: {  	_ =	swait.ge [sflag:s6], $0x4000  }
0x30: {  	[sflag:s6] =	ssyncset.done $0x0  }
0x31: {  	s30 =	simm.s32 $0x380;
	s22 =	simm.s32 $0x2;
	[sflag:s6] =	ssyncadd.s32 $0xFFFFC000  }
0x32: {  	[tilespmem:s28], [sflag:$0x1] =	stream.indirect.gather [hbm4b:s1+s26], $0x80, s30, s26, $0xb8;
	[tilespmem:$0x1DC00] =	vst v63  }
0x33: {  	_ =	swait.ge [sflag:s22], $0x4000  }
0x34: {  	[sflag:s22] =	ssyncset.done $0x0  }
0x35: {  	s24 =	rddreg [dreg:$0x7];
	[sflag:s22] =	ssyncadd.s32 $0xFFFFC000  }
0x36: {  	[hbm4b:s24+s4] =	stream.linear.scatter [tilespmem:s3], [sflag:$0x9], $0x4000, $0x38;
	[tilespmem:$0x1DC00] =	vst v63  }
0x37: {  	_ =	swait.ge [sflag:s9], $0x4000  }
0x38: {  	[sflag:s9] =	ssyncset.done $0x0  }
0x39: {  	s30 =	simm.s32 $0x3;
	[sflag:s9] =	ssyncadd.s32 $0xFFFFC000  }
0x3a: {  	[tilespmem:s3], [sflag:$0x2] =	stream.indirect.gather [hbm4b:s1+s26], $0x80, s2, s26, $0xb8;
	[tilespmem:$0x1DC00] =	vst v63  }
0x3b: {  	_ =	swait.ge [sflag:s30], $0x4000  }
0x3c: {  	[sflag:s30] =	ssyncset.done $0x0  }
0x3d: {  	s2 =	rddreg [dreg:$0x8];
	[sflag:s30] =	ssyncadd.s32 $0xFFFFC000  }
0x3e: {  	[hbm4b:s2+s4] =	stream.linear.scatter [tilespmem:s5], [sflag:$0xA], $0x4000, $0x38;
	[tilespmem:$0x1DC00] =	vst v63  }
0x3f: {  	_ =	swait.ge [sflag:s11], $0x4000  }
0x40: {  	[sflag:s11] =	ssyncset.done $0x0  }
0x41: {  	s22 =	simm.s32 $0x4;
	s3 =	simm.s32 $0x480;
	[sflag:s11] =	ssyncadd.s32 $0xFFFFC000  }
0x42: {  	[tilespmem:s5], [sflag:$0x3] =	stream.indirect.gather [hbm4b:s1+s26], $0x80, s3, s26, $0xb8;
	[tilespmem:$0x1DC00] =	vst v63  }
0x43: {  	_ =	swait.ge [sflag:s22], $0x4000  }
0x44: {  	[sflag:s22] =	ssyncset.done $0x0  }
0x45: {  	s24 =	rddreg [dreg:$0x9];
	[sflag:s22] =	ssyncadd.s32 $0xFFFFC000  }
0x46: {  	[hbm4b:s24+s4] =	stream.linear.scatter [tilespmem:s7], [sflag:$0xB], $0x4000, $0x38;
	[tilespmem:$0x1DC00] =	vst v63  }
0x47: {  	_ =	swait.ge [sflag:s12], $0x4000  }
0x48: {  	[sflag:s12] =	ssyncset.done $0x0  }
0x49: {  	s30 =	simm.s32 $0x500;
	s2 =	simm.s32 $0x5;
	[sflag:s12] =	ssyncadd.s32 $0xFFFFC000  }
0x4a: {  	[tilespmem:s7], [sflag:$0x4] =	stream.indirect.gather [hbm4b:s1+s26], $0x80, s30, s26, $0xb8;
	[tilespmem:$0x1DC00] =	vst v63  }
0x4b: {  	_ =	swait.ge [sflag:s2], $0x4000  }
0x4c: {  	[sflag:s2] =	ssyncset.done $0x0  }
0x4d: {  	s3 =	rddreg [dreg:$0xa];
	[sflag:s2] =	ssyncadd.s32 $0xFFFFC000  }
0x4e: {  	[hbm4b:s3+s4] =	stream.linear.scatter [tilespmem:s8], [sflag:$0xC], $0x4000, $0x38;
	[tilespmem:$0x1DC00] =	vst v63  }
0x4f: {  	_ =	swait.ge [sflag:s14], $0x4000  }
0x50: {  	[sflag:s14] =	ssyncset.done $0x0  }
0x51: {  	s5 =	simm.s32 $0x580;
	s7 =	simm.s32 $0x6;
	[sflag:s14] =	ssyncadd.s32 $0xFFFFC000  }
0x52: {  	[tilespmem:s8], [sflag:$0x5] =	stream.indirect.gather [hbm4b:s1+s26], $0x80, s5, s26, $0xb8;
	[tilespmem:$0x1DC00] =	vst v63  }
0x53: {  	_ =	swait.ge [sflag:s7], $0x4000  }
0x54: {  	[sflag:s7] =	ssyncset.done $0x0  }
0x55: {  	s8 =	rddreg [dreg:$0xb];
	[sflag:s7] =	ssyncadd.s32 $0xFFFFC000  }
0x56: {  	[hbm4b:s8+s4] =	stream.linear.scatter [tilespmem:s10], [sflag:$0xD], $0x4000, $0x38;
	[tilespmem:$0x1DC00] =	vst v63  }
0x57: {  	_ =	swait.ge [sflag:s21], $0x4000  }
0x58: {  	[sflag:s21] =	ssyncset.done $0x0  }
0x59: {  	s22 =	simm.s32 $0x600;
	s24 =	simm.s32 $0x7;
	[sflag:s21] =	ssyncadd.s32 $0xFFFFC000  }
0x5a: {  	[tilespmem:s10], [sflag:$0x6] =	stream.indirect.gather [hbm4b:s1+s26], $0x80, s22, s26, $0xb8;
	[tilespmem:$0x1DC00] =	vst v63  }
0x5b: {  	s2 =	simm.s32 $0x0;
	_ =	swait.ge [sflag:s24], $0x4000  }
0x5c: {  	s3 =	smov.u32 s31;
	[sflag:s24] =	ssyncset.done $0x0;
	s30 =	rddreg [dreg:$0xc]  }
0x5d: {  	s29 =	rddreg [dreg:$0xe];
	[sflag:s24] =	ssyncadd.s32 $0xFFFFC000;
	s24 =	simm.s32 $0x0  }
0x5e: {  	[hbm4b:s30+s4] =	stream.linear.scatter [tilespmem:s13], [sflag:$0xE], $0x4000, $0x38;
	[tilespmem:$0x1DC00] =	vst v63  }
.LBB2_2:
0x5f: {  	p0 =	seq.s32 s2, $0x5400  }
0x60: {  	s0 =	simm.s32 @!p0 $0xE  }
0x61: {  	_ =	swait.ge @!p0 [sflag:s0], $0x4000  }
0x62: {  	s5 =	sshra.s32 @!p0 s2, $0x2;
	s10 =	simm.s32 @!p0 $0x80;
	[sflag:s0] =	ssyncset.done @!p0 $0x0  }
0x63: {  	s8 =	sadd.s32 @!p0 $0x680, s5;
	[sflag:s0] =	ssyncadd.s32 @!p0 $0xFFFFC000;
	s0 =	simm.s32 @!p0 $0x19C00  }
0x64: {  	[tilespmem:s0], [sflag:$0x7] =	stream.indirect.gather @!p0 [hbm4b:s1+s10], $0x80, s8, s10, $0xb8;
	[tilespmem:$0x1DC00] =	vst v63  }
0x65: {  	_ =	swait.ge [sflag:s23], $0x4000  }
0x66: {  	s30 =	sshrl.u32 s29, $0x3;
	[sflag:s23] =	ssyncset.done $0x0  }
0x67: {  	s8 =	sadd.s32 s31, s30;
	[sflag:s23] =	ssyncadd.s32 $0xFFFFC000  }
0x68: {  	[hbm4b:s8+s4] =	stream.linear.scatter [tilespmem:s28], [sflag:$0x8], $0x4000, $0x38;
	[tilespmem:$0x1DC00] =	vst v63  }
0x69: {  	s8 =	simm.s32 @!p0 $0x8  }
0x6a: {  	_ =	swait.ge @!p0 [sflag:s8], $0x4000  }
0x6b: {  	[sflag:s8] =	ssyncset.done @!p0 $0x0  }
0x6c: {  	s5 =	sadd.s32 @!p0 $0x700, s5;
	[sflag:s8] =	ssyncadd.s32 @!p0 $0xFFFFC000;
	s8 =	simm.s32 @!p0 $0x1C00  }
0x6d: {  	[tilespmem:s8], [sflag:$0x1] =	stream.indirect.gather @!p0 [hbm4b:s1+s10], $0x80, s5, s10, $0xb8;
	[tilespmem:$0x1DC00] =	vst v63  }
0x6e: {  	s5 =	simm.s32 @!p0 $0x2  }
0x6f: {  	p1 =	sgt.u32 @!p0 s24, $0x4;
	_ =	swait.ge @!p0 [sflag:s5], $0x4000  }
0x70: {  	p2 =	por !p1, p0;
	s8 =	simm.s32 @!p0 $0x0;
	[sflag:s5] =	ssyncset.done @!p0 $0x0  }
0x71: {  	s10 =	simm.s32 @!p0 $0x5C00;
	[sflag:s5] =	ssyncadd.s32 @!p0 $0xFFFFC000;
	s5 =	sadd.s32 @!p0 s3, s20  }
0x72: {  	[hbm4b:s5+s8] =	stream.linear.scatter @!p0 [tilespmem:s10], [sflag:$0x9], $0x4000, $0x38;
	[tilespmem:$0x1DC00] =	vst v63  }
0x73: {  	s5 =	simm.s32 @!p2 $0x3  }
0x74: {  	_ =	swait.ge @!p2 [sflag:s5], $0x4000  }
0x75: {  	p1 =	por p1, p0;
	s13 =	simm.s32 @!p2 $0x0;
	[sflag:s5] =	ssyncset.done @!p2 $0x0  }
0x76: {  	s10 =	simm.s32 @!p2 $0x9C00;
	[sflag:s5] =	ssyncadd.s32 @!p2 $0xFFFFC000;
	s5 =	sadd.s32 @!p2 s3, s17  }
0x77: {  	[hbm4b:s5+s13] =	stream.linear.scatter @!p2 [tilespmem:s10], [sflag:$0xA], $0x4000, $0x38;
	[tilespmem:$0x1DC00] =	vst v63  }
0x78: {  	s5 =	simm.s32 @!p1 $0x9  }
0x79: {  	_ =	swait.ge @!p1 [sflag:s5], $0x4000  }
0x7a: {  	s30 =	simm.s32 @!p1 $0x5C00;
	s10 =	sshra.s32 @!p1 s2, $0x2;
	[sflag:s5] =	ssyncset.done @!p1 $0x0  }
0x7b: {  	s22 =	sadd.s32 @!p1 $0x780, s10;
	[sflag:s5] =	ssyncadd.s32 @!p1 $0xFFFFC000;
	s5 =	simm.s32 @!p1 $0x80  }
0x7c: {  	[tilespmem:s30], [sflag:$0x2] =	stream.indirect.gather @!p1 [hbm4b:s1+s5], $0x80, s22, s5, $0xb8;
	[tilespmem:$0x1DC00] =	vst v63  }
0x7d: {  	s22 =	simm.s32 @!p1 $0x3  }
0x7e: {  	_ =	swait.ge @!p1 [sflag:s22], $0x4000  }
0x7f: {  	s7 =	simm.s32 @!p1 $0x9C00;
	[sflag:s22] =	ssyncset.done @!p1 $0x0  }
0x80: {  	s30 =	simm.s32 @!p1 $0x0;
	[sflag:s22] =	ssyncadd.s32 @!p1 $0xFFFFC000;
	s22 =	sadd.s32 @!p1 s3, s17  }
0x81: {  	[hbm4b:s22+s30] =	stream.linear.scatter @!p1 [tilespmem:s7], [sflag:$0xA], $0x4000, $0x38;
	[tilespmem:$0x1DC00] =	vst v63  }
0x82: {  	s22 =	simm.s32 @!p1 $0xA  }
0x83: {  	_ =	swait.ge @!p1 [sflag:s22], $0x4000  }
0x84: {  	[sflag:s22] =	ssyncset.done @!p1 $0x0  }
0x85: {  	[sflag:s22] =	ssyncadd.s32 @!p1 $0xFFFFC000;
	s22 =	sadd.s32 @!p1 $0x800, s10  }
0x86: {  	[tilespmem:s7], [sflag:$0x3] =	stream.indirect.gather @!p1 [hbm4b:s1+s5], $0x80, s22, s5, $0xb8;
	[tilespmem:$0x1DC00] =	vst v63  }
0x87: {  	s7 =	simm.s32 @!p0 $0x4  }
0x88: {  	_ =	swait.ge @!p0 [sflag:s7], $0x4000  }
0x89: {  	[sflag:s7] =	ssyncset.done @!p0 $0x0  }
0x8a: {  	s22 =	simm.s32 @!p0 $0xDC00;
	[sflag:s7] =	ssyncadd.s32 @!p0 $0xFFFFC000;
	s7 =	sadd.s32 @!p0 s3, s19  }
0x8b: {  	[hbm4b:s7+s8] =	stream.linear.scatter @!p0 [tilespmem:s22], [sflag:$0xB], $0x4000, $0x38;
	[tilespmem:$0x1DC00] =	vst v63  }
0x8c: {  	s7 =	simm.s32 @!p2 $0x5  }
0x8d: {  	_ =	swait.ge @!p2 [sflag:s7], $0x4000  }
0x8e: {  	[sflag:s7] =	ssyncset.done @!p2 $0x0  }
0x8f: {  	s22 =	simm.s32 @!p2 $0x11C00;
	[sflag:s7] =	ssyncadd.s32 @!p2 $0xFFFFC000;
	s7 =	sadd.s32 @!p2 s3, s16  }
0x90: {  	[hbm4b:s7+s13] =	stream.linear.scatter @!p2 [tilespmem:s22], [sflag:$0xC], $0x4000, $0x38;
	[tilespmem:$0x1DC00] =	vst v63  }
0x91: {  	s7 =	simm.s32 @!p1 $0xB  }
0x92: {  	_ =	swait.ge @!p1 [sflag:s7], $0x4000  }
0x93: {  	[sflag:s7] =	ssyncset.done @!p1 $0x0  }
0x94: {  	s13 =	simm.s32 @!p1 $0xDC00;
	[sflag:s7] =	ssyncadd.s32 @!p1 $0xFFFFC000;
	s7 =	sadd.s32 @!p1 $0x880, s10  }
0x95: {  	[tilespmem:s13], [sflag:$0x4] =	stream.indirect.gather @!p1 [hbm4b:s1+s5], $0x80, s7, s5, $0xb8;
	[tilespmem:$0x1DC00] =	vst v63  }
0x96: {  	s7 =	simm.s32 @!p1 $0x5  }
0x97: {  	_ =	swait.ge @!p1 [sflag:s7], $0x4000  }
0x98: {  	[sflag:s7] =	ssyncset.done @!p1 $0x0  }
0x99: {  	s13 =	simm.s32 @!p1 $0x11C00;
	[sflag:s7] =	ssyncadd.s32 @!p1 $0xFFFFC000;
	s7 =	sadd.s32 @!p1 s3, s16  }
0x9a: {  	[hbm4b:s7+s30] =	stream.linear.scatter @!p1 [tilespmem:s13], [sflag:$0xC], $0x4000, $0x38;
	[tilespmem:$0x1DC00] =	vst v63  }
0x9b: {  	s7 =	simm.s32 @!p1 $0xC  }
0x9c: {  	_ =	swait.ge @!p1 [sflag:s7], $0x4000  }
0x9d: {  	[sflag:s7] =	ssyncset.done @!p1 $0x0  }
0x9e: {  	[sflag:s7] =	ssyncadd.s32 @!p1 $0xFFFFC000;
	s7 =	sadd.s32 @!p1 $0x900, s10  }
0x9f: {  	[tilespmem:s13], [sflag:$0x5] =	stream.indirect.gather @!p1 [hbm4b:s1+s5], $0x80, s7, s5, $0xb8;
	[tilespmem:$0x1DC00] =	vst v63  }
0xa0: {  	s7 =	simm.s32 @!p0 $0x6  }
0xa1: {  	_ =	swait.ge @!p0 [sflag:s7], $0x4000  }
0xa2: {  	[sflag:s7] =	ssyncset.done @!p0 $0x0  }
0xa3: {  	s13 =	simm.s32 @!p0 $0x15C00;
	[sflag:s7] =	ssyncadd.s32 @!p0 $0xFFFFC000;
	s7 =	sadd.s32 @!p0 s3, s18  }
0xa4: {  	[hbm4b:s7+s8] =	stream.linear.scatter @!p0 [tilespmem:s13], [sflag:$0xD], $0x4000, $0x38;
	[tilespmem:$0x1DC00] =	vst v63  }
0xa5: {  	s7 =	simm.s32 @!p1 $0xD  }
0xa6: {  	_ =	swait.ge @!p1 [sflag:s7], $0x4000  }
0xa7: {  	s2 =	sadd.s32 @!p0 $0xE00, s2;
	[sflag:s7] =	ssyncset.done @!p1 $0x0  }
0xa8: {  	[sflag:s7] =	ssyncadd.s32 @!p1 $0xFFFFC000;
	s7 =	sadd.s32 @!p1 $0x980, s10;
	s10 =	simm.s32 @!p1 $0x15C00  }
0xa9: {  	[tilespmem:s10], [sflag:$0x6] =	stream.indirect.gather @!p1 [hbm4b:s1+s5], $0x80, s7, s5, $0xb8;
	[tilespmem:$0x1DC00] =	vst v63  }
0xaa: {  	p1 =	sne.s32 @!p0 s2, $0x6200  }
0xab: {  	p1 =	por p0, !p1  }
.Ltmp0:
0xac: {  	s5 =	simm.s32 @!p0 $0x7;
	(pc) =	sbr.rel @!p1 .LBB2_2-.Ltmp0, $4  }
0xad: {  	_ =	swait.ge @!p0 [sflag:s5], $0x4000  }
0xae: {  	s24 =	sadd.s32 @!p0 $0x1, s24;
	s29 =	sadd.s32 @!p0 $0x380000, s29;
	[sflag:s5] =	ssyncset.done @!p0 $0x0  }
0xaf: {  	[sflag:s5] =	ssyncadd.s32 @!p0 $0xFFFFC000;
	s5 =	sadd.s32 @!p0 s3, s15;
	s3 =	sadd.s32 @!p0 $0x70000, s3  }
0xb0: {  	[hbm4b:s5+s8] =	stream.linear.scatter @!p0 [tilespmem:s0], [sflag:$0xE], $0x4000, $0x38;
	[tilespmem:$0x1DC00] =	vst v63  }
0xb1: {  	_ =	swait.ge [sflag:s6], $0x4000  }
0xb2: {  	[sflag:s6] =	ssyncset.done $0x0  }
0xb3: {  	[sflag:s6] =	ssyncadd.s32 $0xFFFFC000  }
0xb4: {  	_ =	swait.ge [sflag:s9], $0x4000  }
0xb5: {  	[sflag:s9] =	ssyncset.done $0x0  }
0xb6: {  	[sflag:s9] =	ssyncadd.s32 $0xFFFFC000  }
0xb7: {  	_ =	swait.ge [sflag:s11], $0x4000  }
0xb8: {  	[sflag:s11] =	ssyncset.done $0x0  }
0xb9: {  	[sflag:s11] =	ssyncadd.s32 $0xFFFFC000  }
0xba: {  	_ =	swait.ge [sflag:s12], $0x4000  }
0xbb: {  	[sflag:s12] =	ssyncset.done $0x0  }
0xbc: {  	[sflag:s12] =	ssyncadd.s32 $0xFFFFC000  }
0xbd: {  	_ =	swait.ge [sflag:s14], $0x4000  }
0xbe: {  	[sflag:s14] =	ssyncset.done $0x0  }
0xbf: {  	[sflag:s14] =	ssyncadd.s32 $0xFFFFC000  }
0xc0: {  	_ =	swait.ge [sflag:s21], $0x4000  }
0xc1: {  	[sflag:s21] =	ssyncset.done $0x0  }
0xc2: {  	s2 =	simm.s32 $0xE;
	[sflag:s21] =	ssyncadd.s32 $0xFFFFC000  }
0xc3: {  	_ =	swait.ge [sflag:s2], $0x4000  }
0xc4: {  	s25 =	sadd.s32 $0x1, s25;
	s0 =	rddreg [dreg:$0xd]  }
0xc5: {  	p0 =	sne.s32 s25, s0  }
.Ltmp1:
0xc6: {  	_ = 	snop;
	(pc) =	sbr.rel @p0 .LBB2_1-.Ltmp1, $3  }
0xc7: {  	_ =	sdelay $0x1  }
0xc8: {  	[sflag:s2] =	ssyncset.done $0x0  }
0xc9: {  	[sflag:s2] =	ssyncadd.s32 $0xFFFFC000  }
0xca: {  	_ =	sfence.sel $0x180000  }
0xcb: {  	[bflag:$0x0] =	sbarrier.arrive $0xFFFF  }
0xcc: {  	_ =	strace $0x90000047  }
0xcd: {  	s0 =	stileid.u32;
	[bflag:$0x2] =	sbarrier.arrive $0xFFFF  }
0xce: {  	p0 =	sne.s32 s0, $0x0;
	s0 =	rddreg [dreg:$0x3]  }
0xcf: {  	s0 =	sadd.s32 @!p0 $0x100000, s0  }
0xd0: {  	[sflag:s0] =	ssyncadd.tile.s32 @!p0 $0x1;
	_ =	shalt  }
.Lfunc_end2:
_tile_overlayer_lowered:
.L_overlay_start_2:
0xd1: {  	(tag) =	ssettag $0x2  }
0xd2: {  	s0 =	rddreg [dreg:$0x0];
	s2 =	stileid.u32  }
0xd3: {  	s1 =	rddreg [dreg:$0x1];
	p0 =	sne.s32 s2, $0x0  }
0xd4: {  	s3 =	rddreg [dreg:$0x2];
	[bflag:$0x3] =	sbarrier.arrive $0xFFFF;
	s2 =	simm.s32 @!p0 $0x1C0F  }
0xd5: {  	[timem:s3], [sflag:s2] =	dma.local @!p0 [hbm:s0], s1  }
0xd6: {  	s0 =	simm.s32 @!p0 $0xF  }
0xd7: {  	_ =	swait.ge @!p0 [sflag:s0], s1  }
0xd8: {  	s1 =	ssub.s32 @!p0 $0x0, s1;
	[sflag:s0] =	ssyncset.done @!p0 $0x0  }
0xd9: {  	[sflag:s0] =	ssyncadd.s32 @!p0 s1  }
0xda: {  	[bflag:$0x3] =	sbarrier.arrive $0xFFFF  }
0xdb: {  	_ =	shalt  }

</sc_bundles>
